<compile_context>
chip_gen: v7x
topology: tpu7x:2x2x1
jax: 0.10.2.dev20260603
libtpu: 0.0.44.dev20260713+nightly
codegen_flags: <defaults>
</compile_context>

<pallas_src>
import functools

import jax
import jax.numpy as jnp
from jax import lax
from jax.experimental import pallas as pl
from jax.experimental.pallas import tpu as pltpu
from jax.experimental.pallas import tpu_sc as plsc

_D = 64
_BATCH = 16384
_FIELDS = 26
_NC, _NS = 2, 16
_NW = _NC * _NS
_SPW = _BATCH // _NW
_G = 8
_NBUF = 4
_PW = 128
_NGROUP = _SPW // _G

_mesh = plsc.VectorSubcoreMesh(
    core_axis_name="c", subcore_axis_name="s",
    num_cores=_NC, num_subcores=_NS,
)


@functools.partial(
    pl.kernel,
    out_type=jax.ShapeDtypeStruct((_BATCH, _FIELDS, _D), jnp.float32),
    mesh=_mesh,
    scratch_types=[
        pltpu.VMEM((_SPW, _FIELDS), jnp.int32),
        [pltpu.VMEM((_G, _FIELDS, _PW), jnp.float32)] * _NBUF,
        pltpu.SemaphoreType.DMA,
    ],
    compiler_params=pltpu.CompilerParams(use_tc_tiling_on_sc=False),
)
def _emb_lookup(x_hbm, table_hbm, out_hbm, idx_v, bufs, gsem):
    wid = lax.axis_index("s") * _NC + lax.axis_index("c")
    sbase = wid * _SPW
    pltpu.sync_copy(x_hbm.at[pl.ds(sbase, _SPW)], idx_v)

    def fire(g, buf):
        for i in range(_G):
            pltpu.async_copy(
                table_hbm.at[idx_v.at[g * _G + i]],
                buf.at[i],
                gsem,
            )

    def drain(buf):
        pltpu.make_async_copy(table_hbm.at[pl.ds(0, _G * _FIELDS)], buf, gsem).wait()

    def writeback(g, buf):
        pltpu.sync_copy(buf.at[:, :, pl.ds(0, _D)],
                        out_hbm.at[pl.ds(sbase + g * _G, _G)])

    for k in range(_NBUF - 1):
        fire(k, bufs[k])

    @pl.loop(0, _NGROUP, step=_NBUF)
    def _group_loop(g):
        for k in range(_NBUF):
            drain(bufs[k])
            writeback(g + k, bufs[k])

            @pl.when(g + k + _NBUF - 1 < _NGROUP)
            def _(k=k):
                fire(g + k + _NBUF - 1, bufs[(k + _NBUF - 1) % _NBUF])


def kernel(x, table):
    table_p = jnp.pad(table, ((0, 0), (0, _PW - _D)))
    return _emb_lookup(x.astype(jnp.int32), table_p)

# --- scband reference (transcript-rebuilt; emitter-appended) ---
"""Pipeline reference for scband-simple-embedding-model-70136815944238 (READ-ONLY COPY).

The authoritative reference and input builder live on the scoring server;
editing this copy changes nothing except your own understanding.
"""

import jax, jax.numpy as jnp
import numpy as np

VOCAB = 1000000
EMBED_DIM = 64
BATCH = 16384
FIELDS = 26

def setup_inputs(seed: int = 0) -> dict:
    key = jax.random.key(seed)
    k_idx, k_tab = jax.random.split(key)
    x = jax.random.randint(k_idx, (BATCH, FIELDS), 0, VOCAB, dtype=jnp.int64 if jax.config.jax_enable_x64 else jnp.int32)
    table = jax.random.normal(k_tab, (VOCAB, EMBED_DIM), dtype=jnp.float32)
    return {"x": x, "table": table}

def reference(x, table):
    # nn.Embedding forward: row gather from the embedding table
    return jnp.take(table, x, axis=0)

if __name__ == "__main__":
    import jax
    _d = setup_inputs()
    print(jax.jit(kernel)(*tuple(_d.values())))

</pallas_src>

<mosaic_0001>
#map = affine_map<(d0, d1) -> (0, 0)>
#map1 = affine_map<(d0, d1) -> (0, 0, 0)>
module attributes {stable_mosaic.version = 14 : i64} {
  func.func @_emb_lookup(%arg0: i32, %arg1: i32, %arg2: memref<16384x26xi32, #tpu.memory_space<hbm>>, %arg3: memref<1000000x128xf32, #tpu.memory_space<hbm>>, %arg4: memref<16384x26x64xf32, #tpu.memory_space<hbm>>, %arg5: memref<512x26xi32, #tpu.memory_space<vmem>>, %arg6: memref<8x26x128xf32, #tpu.memory_space<vmem>>, %arg7: memref<8x26x128xf32, #tpu.memory_space<vmem>>, %arg8: memref<8x26x128xf32, #tpu.memory_space<vmem>>, %arg9: memref<8x26x128xf32, #tpu.memory_space<vmem>>, %arg10: memref<!tpu.dma_semaphore, #tpu.memory_space<semaphore_mem>>) attributes {dimension_semantics = [#tpu.dimension_semantics<core_parallel>, #tpu.dimension_semantics<subcore_parallel>], iteration_bounds = array<i64: 2, 16>, scalar_prefetch = 0 : i64, scratch_operands = 6 : i64, tpu.core_type = #tpu.core_type<sc_vector_subcore>, window_params = [{transform_indices = #map}, {transform_indices = #map}, {transform_indices = #map1}]} {
    %mul3A = arith.constant 2 : i32
    %mul3A_0 = arith.muli %arg1, %mul3A : i32
    %add3A = arith.addi %mul3A_0, %arg0 : i32
    %mul3A_1 = arith.constant 512 : i32
    %mul3A_2 = arith.muli %add3A, %mul3A_1 : i32
    "tpu.region"() ({
      %run_scoped3A = tpu.sem_alloc : memref<!tpu.dma_semaphore, #tpu.memory_space<semaphore_mem>>
      %dma_start3A_294 = arith.constant 0 : i32
      %dma_start3A_295 = tpu.memref_slice %arg2[%mul3A_2, %dma_start3A_294] : memref<16384x26xi32, #tpu.memory_space<hbm>> -> memref<512x26xi32, #tpu.memory_space<hbm>>
      %dma_start3A_296 = arith.constant 0 : i32
      %dma_start3A_297 = tpu.memref_slice %arg2[%mul3A_2, %dma_start3A_296] : memref<16384x26xi32, #tpu.memory_space<hbm>> -> memref<512x26xi32, #tpu.memory_space<hbm>>
      tpu.enqueue_dma source(%dma_start3A_297 : memref<512x26xi32, #tpu.memory_space<hbm>>) target(%arg5 : memref<512x26xi32, #tpu.memory_space<vmem>>) target_semaphore(%run_scoped3A : memref<!tpu.dma_semaphore, #tpu.memory_space<semaphore_mem>>)
      %dma_wait3A = arith.constant 0 : i32
      %dma_wait3A_298 = tpu.memref_slice %arg2[%mul3A_2, %dma_wait3A] : memref<16384x26xi32, #tpu.memory_space<hbm>> -> memref<512x26xi32, #tpu.memory_space<hbm>>
      %dma_wait3A_299 = arith.constant 0 : i32
      %dma_wait3A_300 = tpu.memref_slice %arg2[%mul3A_2, %dma_wait3A_299] : memref<16384x26xi32, #tpu.memory_space<hbm>> -> memref<512x26xi32, #tpu.memory_space<hbm>>
      tpu.wait_dma2 semaphore(%run_scoped3A : memref<!tpu.dma_semaphore, #tpu.memory_space<semaphore_mem>>) src(%dma_wait3A_300 : memref<512x26xi32, #tpu.memory_space<hbm>>) dst(%arg5 : memref<512x26xi32, #tpu.memory_space<vmem>>)
      tpu.yield
    }) : () -> ()
    %dma_start3A = arith.constant 0 : i32
    %dma_start3A_3 = arith.constant 0 : i32
    %dma_start3A_4 = arith.constant 0 : i32
    %dma_start3A_5 = arith.constant 0 : i32
    %dma_start3A_6 = tpu.memref_slice %arg6[%dma_start3A_3, %dma_start3A_4, %dma_start3A_5] : memref<8x26x128xf32, #tpu.memory_space<vmem>> -> memref<1x26x128xf32, #tpu.memory_space<vmem>>
    %dma_start3A_7 = tpu.memref_squeeze %dma_start3A_6 : memref<1x26x128xf32, #tpu.memory_space<vmem>> -> memref<26x128xf32, #tpu.memory_space<vmem>>
    %dma_start3A_8 = arith.constant 0 : i32
    %dma_start3A_9 = tpu.memref_slice %arg5[%dma_start3A, %dma_start3A_8] : memref<512x26xi32, #tpu.memory_space<vmem>> -> memref<1x26xi32, #tpu.memory_space<vmem>>
    %dma_start3A_10 = tpu.memref_squeeze %dma_start3A_9 : memref<1x26xi32, #tpu.memory_space<vmem>> -> memref<26xi32, #tpu.memory_space<vmem>>
    %dma_start3A_11 = arith.constant 0 : i32
    %dma_start3A_12 = arith.constant 0 : i32
    %dma_start3A_13 = tpu.memref_slice %arg3[%dma_start3A_11, %dma_start3A_12] : memref<1000000x128xf32, #tpu.memory_space<hbm>> -> memref<1000000x128xf32, #tpu.memory_space<hbm>>
    tpu.enqueue_indirect_dma source(%dma_start3A_13 : memref<1000000x128xf32, #tpu.memory_space<hbm>>) target(%dma_start3A_7 : memref<26x128xf32, #tpu.memory_space<vmem>>) offsets(%dma_start3A_10 : memref<26xi32, #tpu.memory_space<vmem>>) semaphore(%arg10 : memref<!tpu.dma_semaphore, #tpu.memory_space<semaphore_mem>>)
    %dma_start3A_14 = arith.constant 1 : i32
    %dma_start3A_15 = arith.constant 1 : i32
    %dma_start3A_16 = arith.constant 0 : i32
    %dma_start3A_17 = arith.constant 0 : i32
    %dma_start3A_18 = tpu.memref_slice %arg6[%dma_start3A_15, %dma_start3A_16, %dma_start3A_17] : memref<8x26x128xf32, #tpu.memory_space<vmem>> -> memref<1x26x128xf32, #tpu.memory_space<vmem>>
    %dma_start3A_19 = tpu.memref_squeeze %dma_start3A_18 : memref<1x26x128xf32, #tpu.memory_space<vmem>> -> memref<26x128xf32, #tpu.memory_space<vmem>>
    %dma_start3A_20 = arith.constant 0 : i32
    %dma_start3A_21 = tpu.memref_slice %arg5[%dma_start3A_14, %dma_start3A_20] : memref<512x26xi32, #tpu.memory_space<vmem>> -> memref<1x26xi32, #tpu.memory_space<vmem>>
    %dma_start3A_22 = tpu.memref_squeeze %dma_start3A_21 : memref<1x26xi32, #tpu.memory_space<vmem>> -> memref<26xi32, #tpu.memory_space<vmem>>
    %dma_start3A_23 = arith.constant 0 : i32
    %dma_start3A_24 = arith.constant 0 : i32
    %dma_start3A_25 = tpu.memref_slice %arg3[%dma_start3A_23, %dma_start3A_24] : memref<1000000x128xf32, #tpu.memory_space<hbm>> -> memref<1000000x128xf32, #tpu.memory_space<hbm>>
    tpu.enqueue_indirect_dma source(%dma_start3A_25 : memref<1000000x128xf32, #tpu.memory_space<hbm>>) target(%dma_start3A_19 : memref<26x128xf32, #tpu.memory_space<vmem>>) offsets(%dma_start3A_22 : memref<26xi32, #tpu.memory_space<vmem>>) semaphore(%arg10 : memref<!tpu.dma_semaphore, #tpu.memory_space<semaphore_mem>>)
    %dma_start3A_26 = arith.constant 2 : i32
    %dma_start3A_27 = arith.constant 2 : i32
    %dma_start3A_28 = arith.constant 0 : i32
    %dma_start3A_29 = arith.constant 0 : i32
    %dma_start3A_30 = tpu.memref_slice %arg6[%dma_start3A_27, %dma_start3A_28, %dma_start3A_29] : memref<8x26x128xf32, #tpu.memory_space<vmem>> -> memref<1x26x128xf32, #tpu.memory_space<vmem>>
    %dma_start3A_31 = tpu.memref_squeeze %dma_start3A_30 : memref<1x26x128xf32, #tpu.memory_space<vmem>> -> memref<26x128xf32, #tpu.memory_space<vmem>>
    %dma_start3A_32 = arith.constant 0 : i32
    %dma_start3A_33 = tpu.memref_slice %arg5[%dma_start3A_26, %dma_start3A_32] : memref<512x26xi32, #tpu.memory_space<vmem>> -> memref<1x26xi32, #tpu.memory_space<vmem>>
    %dma_start3A_34 = tpu.memref_squeeze %dma_start3A_33 : memref<1x26xi32, #tpu.memory_space<vmem>> -> memref<26xi32, #tpu.memory_space<vmem>>
    %dma_start3A_35 = arith.constant 0 : i32
    %dma_start3A_36 = arith.constant 0 : i32
    %dma_start3A_37 = tpu.memref_slice %arg3[%dma_start3A_35, %dma_start3A_36] : memref<1000000x128xf32, #tpu.memory_space<hbm>> -> memref<1000000x128xf32, #tpu.memory_space<hbm>>
    tpu.enqueue_indirect_dma source(%dma_start3A_37 : memref<1000000x128xf32, #tpu.memory_space<hbm>>) target(%dma_start3A_31 : memref<26x128xf32, #tpu.memory_space<vmem>>) offsets(%dma_start3A_34 : memref<26xi32, #tpu.memory_space<vmem>>) semaphore(%arg10 : memref<!tpu.dma_semaphore, #tpu.memory_space<semaphore_mem>>)
    %dma_start3A_38 = arith.constant 3 : i32
    %dma_start3A_39 = arith.constant 3 : i32
    %dma_start3A_40 = arith.constant 0 : i32
    %dma_start3A_41 = arith.constant 0 : i32
    %dma_start3A_42 = tpu.memref_slice %arg6[%dma_start3A_39, %dma_start3A_40, %dma_start3A_41] : memref<8x26x128xf32, #tpu.memory_space<vmem>> -> memref<1x26x128xf32, #tpu.memory_space<vmem>>
    %dma_start3A_43 = tpu.memref_squeeze %dma_start3A_42 : memref<1x26x128xf32, #tpu.memory_space<vmem>> -> memref<26x128xf32, #tpu.memory_space<vmem>>
    %dma_start3A_44 = arith.constant 0 : i32
    %dma_start3A_45 = tpu.memref_slice %arg5[%dma_start3A_38, %dma_start3A_44] : memref<512x26xi32, #tpu.memory_space<vmem>> -> memref<1x26xi32, #tpu.memory_space<vmem>>
    %dma_start3A_46 = tpu.memref_squeeze %dma_start3A_45 : memref<1x26xi32, #tpu.memory_space<vmem>> -> memref<26xi32, #tpu.memory_space<vmem>>
    %dma_start3A_47 = arith.constant 0 : i32
    %dma_start3A_48 = arith.constant 0 : i32
    %dma_start3A_49 = tpu.memref_slice %arg3[%dma_start3A_47, %dma_start3A_48] : memref<1000000x128xf32, #tpu.memory_space<hbm>> -> memref<1000000x128xf32, #tpu.memory_space<hbm>>
    tpu.enqueue_indirect_dma source(%dma_start3A_49 : memref<1000000x128xf32, #tpu.memory_space<hbm>>) target(%dma_start3A_43 : memref<26x128xf32, #tpu.memory_space<vmem>>) offsets(%dma_start3A_46 : memref<26xi32, #tpu.memory_space<vmem>>) semaphore(%arg10 : memref<!tpu.dma_semaphore, #tpu.memory_space<semaphore_mem>>)
    %dma_start3A_50 = arith.constant 4 : i32
    %dma_start3A_51 = arith.constant 4 : i32
    %dma_start3A_52 = arith.constant 0 : i32
    %dma_start3A_53 = arith.constant 0 : i32
    %dma_start3A_54 = tpu.memref_slice %arg6[%dma_start3A_51, %dma_start3A_52, %dma_start3A_53] : memref<8x26x128xf32, #tpu.memory_space<vmem>> -> memref<1x26x128xf32, #tpu.memory_space<vmem>>
    %dma_start3A_55 = tpu.memref_squeeze %dma_start3A_54 : memref<1x26x128xf32, #tpu.memory_space<vmem>> -> memref<26x128xf32, #tpu.memory_space<vmem>>
    %dma_start3A_56 = arith.constant 0 : i32
    %dma_start3A_57 = tpu.memref_slice %arg5[%dma_start3A_50, %dma_start3A_56] : memref<512x26xi32, #tpu.memory_space<vmem>> -> memref<1x26xi32, #tpu.memory_space<vmem>>
    %dma_start3A_58 = tpu.memref_squeeze %dma_start3A_57 : memref<1x26xi32, #tpu.memory_space<vmem>> -> memref<26xi32, #tpu.memory_space<vmem>>
    %dma_start3A_59 = arith.constant 0 : i32
    %dma_start3A_60 = arith.constant 0 : i32
    %dma_start3A_61 = tpu.memref_slice %arg3[%dma_start3A_59, %dma_start3A_60] : memref<1000000x128xf32, #tpu.memory_space<hbm>> -> memref<1000000x128xf32, #tpu.memory_space<hbm>>
    tpu.enqueue_indirect_dma source(%dma_start3A_61 : memref<1000000x128xf32, #tpu.memory_space<hbm>>) target(%dma_start3A_55 : memref<26x128xf32, #tpu.memory_space<vmem>>) offsets(%dma_start3A_58 : memref<26xi32, #tpu.memory_space<vmem>>) semaphore(%arg10 : memref<!tpu.dma_semaphore, #tpu.memory_space<semaphore_mem>>)
    %dma_start3A_62 = arith.constant 5 : i32
    %dma_start3A_63 = arith.constant 5 : i32
    %dma_start3A_64 = arith.constant 0 : i32
    %dma_start3A_65 = arith.constant 0 : i32
    %dma_start3A_66 = tpu.memref_slice %arg6[%dma_start3A_63, %dma_start3A_64, %dma_start3A_65] : memref<8x26x128xf32, #tpu.memory_space<vmem>> -> memref<1x26x128xf32, #tpu.memory_space<vmem>>
    %dma_start3A_67 = tpu.memref_squeeze %dma_start3A_66 : memref<1x26x128xf32, #tpu.memory_space<vmem>> -> memref<26x128xf32, #tpu.memory_space<vmem>>
    %dma_start3A_68 = arith.constant 0 : i32
    %dma_start3A_69 = tpu.memref_slice %arg5[%dma_start3A_62, %dma_start3A_68] : memref<512x26xi32, #tpu.memory_space<vmem>> -> memref<1x26xi32, #tpu.memory_space<vmem>>
    %dma_start3A_70 = tpu.memref_squeeze %dma_start3A_69 : memref<1x26xi32, #tpu.memory_space<vmem>> -> memref<26xi32, #tpu.memory_space<vmem>>
    %dma_start3A_71 = arith.constant 0 : i32
    %dma_start3A_72 = arith.constant 0 : i32
    %dma_start3A_73 = tpu.memref_slice %arg3[%dma_start3A_71, %dma_start3A_72] : memref<1000000x128xf32, #tpu.memory_space<hbm>> -> memref<1000000x128xf32, #tpu.memory_space<hbm>>
    tpu.enqueue_indirect_dma source(%dma_start3A_73 : memref<1000000x128xf32, #tpu.memory_space<hbm>>) target(%dma_start3A_67 : memref<26x128xf32, #tpu.memory_space<vmem>>) offsets(%dma_start3A_70 : memref<26xi32, #tpu.memory_space<vmem>>) semaphore(%arg10 : memref<!tpu.dma_semaphore, #tpu.memory_space<semaphore_mem>>)
    %dma_start3A_74 = arith.constant 6 : i32
    %dma_start3A_75 = arith.constant 6 : i32
    %dma_start3A_76 = arith.constant 0 : i32
    %dma_start3A_77 = arith.constant 0 : i32
    %dma_start3A_78 = tpu.memref_slice %arg6[%dma_start3A_75, %dma_start3A_76, %dma_start3A_77] : memref<8x26x128xf32, #tpu.memory_space<vmem>> -> memref<1x26x128xf32, #tpu.memory_space<vmem>>
    %dma_start3A_79 = tpu.memref_squeeze %dma_start3A_78 : memref<1x26x128xf32, #tpu.memory_space<vmem>> -> memref<26x128xf32, #tpu.memory_space<vmem>>
    %dma_start3A_80 = arith.constant 0 : i32
    %dma_start3A_81 = tpu.memref_slice %arg5[%dma_start3A_74, %dma_start3A_80] : memref<512x26xi32, #tpu.memory_space<vmem>> -> memref<1x26xi32, #tpu.memory_space<vmem>>
    %dma_start3A_82 = tpu.memref_squeeze %dma_start3A_81 : memref<1x26xi32, #tpu.memory_space<vmem>> -> memref<26xi32, #tpu.memory_space<vmem>>
    %dma_start3A_83 = arith.constant 0 : i32
    %dma_start3A_84 = arith.constant 0 : i32
    %dma_start3A_85 = tpu.memref_slice %arg3[%dma_start3A_83, %dma_start3A_84] : memref<1000000x128xf32, #tpu.memory_space<hbm>> -> memref<1000000x128xf32, #tpu.memory_space<hbm>>
    tpu.enqueue_indirect_dma source(%dma_start3A_85 : memref<1000000x128xf32, #tpu.memory_space<hbm>>) target(%dma_start3A_79 : memref<26x128xf32, #tpu.memory_space<vmem>>) offsets(%dma_start3A_82 : memref<26xi32, #tpu.memory_space<vmem>>) semaphore(%arg10 : memref<!tpu.dma_semaphore, #tpu.memory_space<semaphore_mem>>)
    %dma_start3A_86 = arith.constant 7 : i32
    %dma_start3A_87 = arith.constant 7 : i32
    %dma_start3A_88 = arith.constant 0 : i32
    %dma_start3A_89 = arith.constant 0 : i32
    %dma_start3A_90 = tpu.memref_slice %arg6[%dma_start3A_87, %dma_start3A_88, %dma_start3A_89] : memref<8x26x128xf32, #tpu.memory_space<vmem>> -> memref<1x26x128xf32, #tpu.memory_space<vmem>>
    %dma_start3A_91 = tpu.memref_squeeze %dma_start3A_90 : memref<1x26x128xf32, #tpu.memory_space<vmem>> -> memref<26x128xf32, #tpu.memory_space<vmem>>
    %dma_start3A_92 = arith.constant 0 : i32
    %dma_start3A_93 = tpu.memref_slice %arg5[%dma_start3A_86, %dma_start3A_92] : memref<512x26xi32, #tpu.memory_space<vmem>> -> memref<1x26xi32, #tpu.memory_space<vmem>>
    %dma_start3A_94 = tpu.memref_squeeze %dma_start3A_93 : memref<1x26xi32, #tpu.memory_space<vmem>> -> memref<26xi32, #tpu.memory_space<vmem>>
    %dma_start3A_95 = arith.constant 0 : i32
    %dma_start3A_96 = arith.constant 0 : i32
    %dma_start3A_97 = tpu.memref_slice %arg3[%dma_start3A_95, %dma_start3A_96] : memref<1000000x128xf32, #tpu.memory_space<hbm>> -> memref<1000000x128xf32, #tpu.memory_space<hbm>>
    tpu.enqueue_indirect_dma source(%dma_start3A_97 : memref<1000000x128xf32, #tpu.memory_space<hbm>>) target(%dma_start3A_91 : memref<26x128xf32, #tpu.memory_space<vmem>>) offsets(%dma_start3A_94 : memref<26xi32, #tpu.memory_space<vmem>>) semaphore(%arg10 : memref<!tpu.dma_semaphore, #tpu.memory_space<semaphore_mem>>)
    %dma_start3A_98 = arith.constant 8 : i32
    %dma_start3A_99 = arith.constant 0 : i32
    %dma_start3A_100 = arith.constant 0 : i32
    %dma_start3A_101 = arith.constant 0 : i32
    %dma_start3A_102 = tpu.memref_slice %arg7[%dma_start3A_99, %dma_start3A_100, %dma_start3A_101] : memref<8x26x128xf32, #tpu.memory_space<vmem>> -> memref<1x26x128xf32, #tpu.memory_space<vmem>>
    %dma_start3A_103 = tpu.memref_squeeze %dma_start3A_102 : memref<1x26x128xf32, #tpu.memory_space<vmem>> -> memref<26x128xf32, #tpu.memory_space<vmem>>
    %dma_start3A_104 = arith.constant 0 : i32
    %dma_start3A_105 = tpu.memref_slice %arg5[%dma_start3A_98, %dma_start3A_104] : memref<512x26xi32, #tpu.memory_space<vmem>> -> memref<1x26xi32, #tpu.memory_space<vmem>>
    %dma_start3A_106 = tpu.memref_squeeze %dma_start3A_105 : memref<1x26xi32, #tpu.memory_space<vmem>> -> memref<26xi32, #tpu.memory_space<vmem>>
    %dma_start3A_107 = arith.constant 0 : i32
    %dma_start3A_108 = arith.constant 0 : i32
    %dma_start3A_109 = tpu.memref_slice %arg3[%dma_start3A_107, %dma_start3A_108] : memref<1000000x128xf32, #tpu.memory_space<hbm>> -> memref<1000000x128xf32, #tpu.memory_space<hbm>>
    tpu.enqueue_indirect_dma source(%dma_start3A_109 : memref<1000000x128xf32, #tpu.memory_space<hbm>>) target(%dma_start3A_103 : memref<26x128xf32, #tpu.memory_space<vmem>>) offsets(%dma_start3A_106 : memref<26xi32, #tpu.memory_space<vmem>>) semaphore(%arg10 : memref<!tpu.dma_semaphore, #tpu.memory_space<semaphore_mem>>)
    %dma_start3A_110 = arith.constant 9 : i32
    %dma_start3A_111 = arith.constant 1 : i32
    %dma_start3A_112 = arith.constant 0 : i32
    %dma_start3A_113 = arith.constant 0 : i32
    %dma_start3A_114 = tpu.memref_slice %arg7[%dma_start3A_111, %dma_start3A_112, %dma_start3A_113] : memref<8x26x128xf32, #tpu.memory_space<vmem>> -> memref<1x26x128xf32, #tpu.memory_space<vmem>>
    %dma_start3A_115 = tpu.memref_squeeze %dma_start3A_114 : memref<1x26x128xf32, #tpu.memory_space<vmem>> -> memref<26x128xf32, #tpu.memory_space<vmem>>
    %dma_start3A_116 = arith.constant 0 : i32
    %dma_start3A_117 = tpu.memref_slice %arg5[%dma_start3A_110, %dma_start3A_116] : memref<512x26xi32, #tpu.memory_space<vmem>> -> memref<1x26xi32, #tpu.memory_space<vmem>>
    %dma_start3A_118 = tpu.memref_squeeze %dma_start3A_117 : memref<1x26xi32, #tpu.memory_space<vmem>> -> memref<26xi32, #tpu.memory_space<vmem>>
    %dma_start3A_119 = arith.constant 0 : i32
    %dma_start3A_120 = arith.constant 0 : i32
    %dma_start3A_121 = tpu.memref_slice %arg3[%dma_start3A_119, %dma_start3A_120] : memref<1000000x128xf32, #tpu.memory_space<hbm>> -> memref<1000000x128xf32, #tpu.memory_space<hbm>>
    tpu.enqueue_indirect_dma source(%dma_start3A_121 : memref<1000000x128xf32, #tpu.memory_space<hbm>>) target(%dma_start3A_115 : memref<26x128xf32, #tpu.memory_space<vmem>>) offsets(%dma_start3A_118 : memref<26xi32, #tpu.memory_space<vmem>>) semaphore(%arg10 : memref<!tpu.dma_semaphore, #tpu.memory_space<semaphore_mem>>)
    %dma_start3A_122 = arith.constant 10 : i32
    %dma_start3A_123 = arith.constant 2 : i32
    %dma_start3A_124 = arith.constant 0 : i32
    %dma_start3A_125 = arith.constant 0 : i32
    %dma_start3A_126 = tpu.memref_slice %arg7[%dma_start3A_123, %dma_start3A_124, %dma_start3A_125] : memref<8x26x128xf32, #tpu.memory_space<vmem>> -> memref<1x26x128xf32, #tpu.memory_space<vmem>>
    %dma_start3A_127 = tpu.memref_squeeze %dma_start3A_126 : memref<1x26x128xf32, #tpu.memory_space<vmem>> -> memref<26x128xf32, #tpu.memory_space<vmem>>
    %dma_start3A_128 = arith.constant 0 : i32
    %dma_start3A_129 = tpu.memref_slice %arg5[%dma_start3A_122, %dma_start3A_128] : memref<512x26xi32, #tpu.memory_space<vmem>> -> memref<1x26xi32, #tpu.memory_space<vmem>>
    %dma_start3A_130 = tpu.memref_squeeze %dma_start3A_129 : memref<1x26xi32, #tpu.memory_space<vmem>> -> memref<26xi32, #tpu.memory_space<vmem>>
    %dma_start3A_131 = arith.constant 0 : i32
    %dma_start3A_132 = arith.constant 0 : i32
    %dma_start3A_133 = tpu.memref_slice %arg3[%dma_start3A_131, %dma_start3A_132] : memref<1000000x128xf32, #tpu.memory_space<hbm>> -> memref<1000000x128xf32, #tpu.memory_space<hbm>>
    tpu.enqueue_indirect_dma source(%dma_start3A_133 : memref<1000000x128xf32, #tpu.memory_space<hbm>>) target(%dma_start3A_127 : memref<26x128xf32, #tpu.memory_space<vmem>>) offsets(%dma_start3A_130 : memref<26xi32, #tpu.memory_space<vmem>>) semaphore(%arg10 : memref<!tpu.dma_semaphore, #tpu.memory_space<semaphore_mem>>)
    %dma_start3A_134 = arith.constant 11 : i32
    %dma_start3A_135 = arith.constant 3 : i32
    %dma_start3A_136 = arith.constant 0 : i32
    %dma_start3A_137 = arith.constant 0 : i32
    %dma_start3A_138 = tpu.memref_slice %arg7[%dma_start3A_135, %dma_start3A_136, %dma_start3A_137] : memref<8x26x128xf32, #tpu.memory_space<vmem>> -> memref<1x26x128xf32, #tpu.memory_space<vmem>>
    %dma_start3A_139 = tpu.memref_squeeze %dma_start3A_138 : memref<1x26x128xf32, #tpu.memory_space<vmem>> -> memref<26x128xf32, #tpu.memory_space<vmem>>
    %dma_start3A_140 = arith.constant 0 : i32
    %dma_start3A_141 = tpu.memref_slice %arg5[%dma_start3A_134, %dma_start3A_140] : memref<512x26xi32, #tpu.memory_space<vmem>> -> memref<1x26xi32, #tpu.memory_space<vmem>>
    %dma_start3A_142 = tpu.memref_squeeze %dma_start3A_141 : memref<1x26xi32, #tpu.memory_space<vmem>> -> memref<26xi32, #tpu.memory_space<vmem>>
    %dma_start3A_143 = arith.constant 0 : i32
    %dma_start3A_144 = arith.constant 0 : i32
    %dma_start3A_145 = tpu.memref_slice %arg3[%dma_start3A_143, %dma_start3A_144] : memref<1000000x128xf32, #tpu.memory_space<hbm>> -> memref<1000000x128xf32, #tpu.memory_space<hbm>>
    tpu.enqueue_indirect_dma source(%dma_start3A_145 : memref<1000000x128xf32, #tpu.memory_space<hbm>>) target(%dma_start3A_139 : memref<26x128xf32, #tpu.memory_space<vmem>>) offsets(%dma_start3A_142 : memref<26xi32, #tpu.memory_space<vmem>>) semaphore(%arg10 : memref<!tpu.dma_semaphore, #tpu.memory_space<semaphore_mem>>)
    %dma_start3A_146 = arith.constant 12 : i32
    %dma_start3A_147 = arith.constant 4 : i32
    %dma_start3A_148 = arith.constant 0 : i32
    %dma_start3A_149 = arith.constant 0 : i32
    %dma_start3A_150 = tpu.memref_slice %arg7[%dma_start3A_147, %dma_start3A_148, %dma_start3A_149] : memref<8x26x128xf32, #tpu.memory_space<vmem>> -> memref<1x26x128xf32, #tpu.memory_space<vmem>>
    %dma_start3A_151 = tpu.memref_squeeze %dma_start3A_150 : memref<1x26x128xf32, #tpu.memory_space<vmem>> -> memref<26x128xf32, #tpu.memory_space<vmem>>
    %dma_start3A_152 = arith.constant 0 : i32
    %dma_start3A_153 = tpu.memref_slice %arg5[%dma_start3A_146, %dma_start3A_152] : memref<512x26xi32, #tpu.memory_space<vmem>> -> memref<1x26xi32, #tpu.memory_space<vmem>>
    %dma_start3A_154 = tpu.memref_squeeze %dma_start3A_153 : memref<1x26xi32, #tpu.memory_space<vmem>> -> memref<26xi32, #tpu.memory_space<vmem>>
    %dma_start3A_155 = arith.constant 0 : i32
    %dma_start3A_156 = arith.constant 0 : i32
    %dma_start3A_157 = tpu.memref_slice %arg3[%dma_start3A_155, %dma_start3A_156] : memref<1000000x128xf32, #tpu.memory_space<hbm>> -> memref<1000000x128xf32, #tpu.memory_space<hbm>>
    tpu.enqueue_indirect_dma source(%dma_start3A_157 : memref<1000000x128xf32, #tpu.memory_space<hbm>>) target(%dma_start3A_151 : memref<26x128xf32, #tpu.memory_space<vmem>>) offsets(%dma_start3A_154 : memref<26xi32, #tpu.memory_space<vmem>>) semaphore(%arg10 : memref<!tpu.dma_semaphore, #tpu.memory_space<semaphore_mem>>)
    %dma_start3A_158 = arith.constant 13 : i32
    %dma_start3A_159 = arith.constant 5 : i32
    %dma_start3A_160 = arith.constant 0 : i32
    %dma_start3A_161 = arith.constant 0 : i32
    %dma_start3A_162 = tpu.memref_slice %arg7[%dma_start3A_159, %dma_start3A_160, %dma_start3A_161] : memref<8x26x128xf32, #tpu.memory_space<vmem>> -> memref<1x26x128xf32, #tpu.memory_space<vmem>>
    %dma_start3A_163 = tpu.memref_squeeze %dma_start3A_162 : memref<1x26x128xf32, #tpu.memory_space<vmem>> -> memref<26x128xf32, #tpu.memory_space<vmem>>
    %dma_start3A_164 = arith.constant 0 : i32
    %dma_start3A_165 = tpu.memref_slice %arg5[%dma_start3A_158, %dma_start3A_164] : memref<512x26xi32, #tpu.memory_space<vmem>> -> memref<1x26xi32, #tpu.memory_space<vmem>>
    %dma_start3A_166 = tpu.memref_squeeze %dma_start3A_165 : memref<1x26xi32, #tpu.memory_space<vmem>> -> memref<26xi32, #tpu.memory_space<vmem>>
    %dma_start3A_167 = arith.constant 0 : i32
    %dma_start3A_168 = arith.constant 0 : i32
    %dma_start3A_169 = tpu.memref_slice %arg3[%dma_start3A_167, %dma_start3A_168] : memref<1000000x128xf32, #tpu.memory_space<hbm>> -> memref<1000000x128xf32, #tpu.memory_space<hbm>>
    tpu.enqueue_indirect_dma source(%dma_start3A_169 : memref<1000000x128xf32, #tpu.memory_space<hbm>>) target(%dma_start3A_163 : memref<26x128xf32, #tpu.memory_space<vmem>>) offsets(%dma_start3A_166 : memref<26xi32, #tpu.memory_space<vmem>>) semaphore(%arg10 : memref<!tpu.dma_semaphore, #tpu.memory_space<semaphore_mem>>)
    %dma_start3A_170 = arith.constant 14 : i32
    %dma_start3A_171 = arith.constant 6 : i32
    %dma_start3A_172 = arith.constant 0 : i32
    %dma_start3A_173 = arith.constant 0 : i32
    %dma_start3A_174 = tpu.memref_slice %arg7[%dma_start3A_171, %dma_start3A_172, %dma_start3A_173] : memref<8x26x128xf32, #tpu.memory_space<vmem>> -> memref<1x26x128xf32, #tpu.memory_space<vmem>>
    %dma_start3A_175 = tpu.memref_squeeze %dma_start3A_174 : memref<1x26x128xf32, #tpu.memory_space<vmem>> -> memref<26x128xf32, #tpu.memory_space<vmem>>
    %dma_start3A_176 = arith.constant 0 : i32
    %dma_start3A_177 = tpu.memref_slice %arg5[%dma_start3A_170, %dma_start3A_176] : memref<512x26xi32, #tpu.memory_space<vmem>> -> memref<1x26xi32, #tpu.memory_space<vmem>>
    %dma_start3A_178 = tpu.memref_squeeze %dma_start3A_177 : memref<1x26xi32, #tpu.memory_space<vmem>> -> memref<26xi32, #tpu.memory_space<vmem>>
    %dma_start3A_179 = arith.constant 0 : i32
    %dma_start3A_180 = arith.constant 0 : i32
    %dma_start3A_181 = tpu.memref_slice %arg3[%dma_start3A_179, %dma_start3A_180] : memref<1000000x128xf32, #tpu.memory_space<hbm>> -> memref<1000000x128xf32, #tpu.memory_space<hbm>>
    tpu.enqueue_indirect_dma source(%dma_start3A_181 : memref<1000000x128xf32, #tpu.memory_space<hbm>>) target(%dma_start3A_175 : memref<26x128xf32, #tpu.memory_space<vmem>>) offsets(%dma_start3A_178 : memref<26xi32, #tpu.memory_space<vmem>>) semaphore(%arg10 : memref<!tpu.dma_semaphore, #tpu.memory_space<semaphore_mem>>)
    %dma_start3A_182 = arith.constant 15 : i32
    %dma_start3A_183 = arith.constant 7 : i32
    %dma_start3A_184 = arith.constant 0 : i32
    %dma_start3A_185 = arith.constant 0 : i32
    %dma_start3A_186 = tpu.memref_slice %arg7[%dma_start3A_183, %dma_start3A_184, %dma_start3A_185] : memref<8x26x128xf32, #tpu.memory_space<vmem>> -> memref<1x26x128xf32, #tpu.memory_space<vmem>>
    %dma_start3A_187 = tpu.memref_squeeze %dma_start3A_186 : memref<1x26x128xf32, #tpu.memory_space<vmem>> -> memref<26x128xf32, #tpu.memory_space<vmem>>
    %dma_start3A_188 = arith.constant 0 : i32
    %dma_start3A_189 = tpu.memref_slice %arg5[%dma_start3A_182, %dma_start3A_188] : memref<512x26xi32, #tpu.memory_space<vmem>> -> memref<1x26xi32, #tpu.memory_space<vmem>>
    %dma_start3A_190 = tpu.memref_squeeze %dma_start3A_189 : memref<1x26xi32, #tpu.memory_space<vmem>> -> memref<26xi32, #tpu.memory_space<vmem>>
    %dma_start3A_191 = arith.constant 0 : i32
    %dma_start3A_192 = arith.constant 0 : i32
    %dma_start3A_193 = tpu.memref_slice %arg3[%dma_start3A_191, %dma_start3A_192] : memref<1000000x128xf32, #tpu.memory_space<hbm>> -> memref<1000000x128xf32, #tpu.memory_space<hbm>>
    tpu.enqueue_indirect_dma source(%dma_start3A_193 : memref<1000000x128xf32, #tpu.memory_space<hbm>>) target(%dma_start3A_187 : memref<26x128xf32, #tpu.memory_space<vmem>>) offsets(%dma_start3A_190 : memref<26xi32, #tpu.memory_space<vmem>>) semaphore(%arg10 : memref<!tpu.dma_semaphore, #tpu.memory_space<semaphore_mem>>)
    %dma_start3A_194 = arith.constant 16 : i32
    %dma_start3A_195 = arith.constant 0 : i32
    %dma_start3A_196 = arith.constant 0 : i32
    %dma_start3A_197 = arith.constant 0 : i32
    %dma_start3A_198 = tpu.memref_slice %arg8[%dma_start3A_195, %dma_start3A_196, %dma_start3A_197] : memref<8x26x128xf32, #tpu.memory_space<vmem>> -> memref<1x26x128xf32, #tpu.memory_space<vmem>>
    %dma_start3A_199 = tpu.memref_squeeze %dma_start3A_198 : memref<1x26x128xf32, #tpu.memory_space<vmem>> -> memref<26x128xf32, #tpu.memory_space<vmem>>
    %dma_start3A_200 = arith.constant 0 : i32
    %dma_start3A_201 = tpu.memref_slice %arg5[%dma_start3A_194, %dma_start3A_200] : memref<512x26xi32, #tpu.memory_space<vmem>> -> memref<1x26xi32, #tpu.memory_space<vmem>>
    %dma_start3A_202 = tpu.memref_squeeze %dma_start3A_201 : memref<1x26xi32, #tpu.memory_space<vmem>> -> memref<26xi32, #tpu.memory_space<vmem>>
    %dma_start3A_203 = arith.constant 0 : i32
    %dma_start3A_204 = arith.constant 0 : i32
    %dma_start3A_205 = tpu.memref_slice %arg3[%dma_start3A_203, %dma_start3A_204] : memref<1000000x128xf32, #tpu.memory_space<hbm>> -> memref<1000000x128xf32, #tpu.memory_space<hbm>>
    tpu.enqueue_indirect_dma source(%dma_start3A_205 : memref<1000000x128xf32, #tpu.memory_space<hbm>>) target(%dma_start3A_199 : memref<26x128xf32, #tpu.memory_space<vmem>>) offsets(%dma_start3A_202 : memref<26xi32, #tpu.memory_space<vmem>>) semaphore(%arg10 : memref<!tpu.dma_semaphore, #tpu.memory_space<semaphore_mem>>)
    %dma_start3A_206 = arith.constant 17 : i32
    %dma_start3A_207 = arith.constant 1 : i32
    %dma_start3A_208 = arith.constant 0 : i32
    %dma_start3A_209 = arith.constant 0 : i32
    %dma_start3A_210 = tpu.memref_slice %arg8[%dma_start3A_207, %dma_start3A_208, %dma_start3A_209] : memref<8x26x128xf32, #tpu.memory_space<vmem>> -> memref<1x26x128xf32, #tpu.memory_space<vmem>>
    %dma_start3A_211 = tpu.memref_squeeze %dma_start3A_210 : memref<1x26x128xf32, #tpu.memory_space<vmem>> -> memref<26x128xf32, #tpu.memory_space<vmem>>
    %dma_start3A_212 = arith.constant 0 : i32
    %dma_start3A_213 = tpu.memref_slice %arg5[%dma_start3A_206, %dma_start3A_212] : memref<512x26xi32, #tpu.memory_space<vmem>> -> memref<1x26xi32, #tpu.memory_space<vmem>>
    %dma_start3A_214 = tpu.memref_squeeze %dma_start3A_213 : memref<1x26xi32, #tpu.memory_space<vmem>> -> memref<26xi32, #tpu.memory_space<vmem>>
    %dma_start3A_215 = arith.constant 0 : i32
    %dma_start3A_216 = arith.constant 0 : i32
    %dma_start3A_217 = tpu.memref_slice %arg3[%dma_start3A_215, %dma_start3A_216] : memref<1000000x128xf32, #tpu.memory_space<hbm>> -> memref<1000000x128xf32, #tpu.memory_space<hbm>>
    tpu.enqueue_indirect_dma source(%dma_start3A_217 : memref<1000000x128xf32, #tpu.memory_space<hbm>>) target(%dma_start3A_211 : memref<26x128xf32, #tpu.memory_space<vmem>>) offsets(%dma_start3A_214 : memref<26xi32, #tpu.memory_space<vmem>>) semaphore(%arg10 : memref<!tpu.dma_semaphore, #tpu.memory_space<semaphore_mem>>)
    %dma_start3A_218 = arith.constant 18 : i32
    %dma_start3A_219 = arith.constant 2 : i32
    %dma_start3A_220 = arith.constant 0 : i32
    %dma_start3A_221 = arith.constant 0 : i32
    %dma_start3A_222 = tpu.memref_slice %arg8[%dma_start3A_219, %dma_start3A_220, %dma_start3A_221] : memref<8x26x128xf32, #tpu.memory_space<vmem>> -> memref<1x26x128xf32, #tpu.memory_space<vmem>>
    %dma_start3A_223 = tpu.memref_squeeze %dma_start3A_222 : memref<1x26x128xf32, #tpu.memory_space<vmem>> -> memref<26x128xf32, #tpu.memory_space<vmem>>
    %dma_start3A_224 = arith.constant 0 : i32
    %dma_start3A_225 = tpu.memref_slice %arg5[%dma_start3A_218, %dma_start3A_224] : memref<512x26xi32, #tpu.memory_space<vmem>> -> memref<1x26xi32, #tpu.memory_space<vmem>>
    %dma_start3A_226 = tpu.memref_squeeze %dma_start3A_225 : memref<1x26xi32, #tpu.memory_space<vmem>> -> memref<26xi32, #tpu.memory_space<vmem>>
    %dma_start3A_227 = arith.constant 0 : i32
    %dma_start3A_228 = arith.constant 0 : i32
    %dma_start3A_229 = tpu.memref_slice %arg3[%dma_start3A_227, %dma_start3A_228] : memref<1000000x128xf32, #tpu.memory_space<hbm>> -> memref<1000000x128xf32, #tpu.memory_space<hbm>>
    tpu.enqueue_indirect_dma source(%dma_start3A_229 : memref<1000000x128xf32, #tpu.memory_space<hbm>>) target(%dma_start3A_223 : memref<26x128xf32, #tpu.memory_space<vmem>>) offsets(%dma_start3A_226 : memref<26xi32, #tpu.memory_space<vmem>>) semaphore(%arg10 : memref<!tpu.dma_semaphore, #tpu.memory_space<semaphore_mem>>)
    %dma_start3A_230 = arith.constant 19 : i32
    %dma_start3A_231 = arith.constant 3 : i32
    %dma_start3A_232 = arith.constant 0 : i32
    %dma_start3A_233 = arith.constant 0 : i32
    %dma_start3A_234 = tpu.memref_slice %arg8[%dma_start3A_231, %dma_start3A_232, %dma_start3A_233] : memref<8x26x128xf32, #tpu.memory_space<vmem>> -> memref<1x26x128xf32, #tpu.memory_space<vmem>>
    %dma_start3A_235 = tpu.memref_squeeze %dma_start3A_234 : memref<1x26x128xf32, #tpu.memory_space<vmem>> -> memref<26x128xf32, #tpu.memory_space<vmem>>
    %dma_start3A_236 = arith.constant 0 : i32
    %dma_start3A_237 = tpu.memref_slice %arg5[%dma_start3A_230, %dma_start3A_236] : memref<512x26xi32, #tpu.memory_space<vmem>> -> memref<1x26xi32, #tpu.memory_space<vmem>>
    %dma_start3A_238 = tpu.memref_squeeze %dma_start3A_237 : memref<1x26xi32, #tpu.memory_space<vmem>> -> memref<26xi32, #tpu.memory_space<vmem>>
    %dma_start3A_239 = arith.constant 0 : i32
    %dma_start3A_240 = arith.constant 0 : i32
    %dma_start3A_241 = tpu.memref_slice %arg3[%dma_start3A_239, %dma_start3A_240] : memref<1000000x128xf32, #tpu.memory_space<hbm>> -> memref<1000000x128xf32, #tpu.memory_space<hbm>>
    tpu.enqueue_indirect_dma source(%dma_start3A_241 : memref<1000000x128xf32, #tpu.memory_space<hbm>>) target(%dma_start3A_235 : memref<26x128xf32, #tpu.memory_space<vmem>>) offsets(%dma_start3A_238 : memref<26xi32, #tpu.memory_space<vmem>>) semaphore(%arg10 : memref<!tpu.dma_semaphore, #tpu.memory_space<semaphore_mem>>)
    %dma_start3A_242 = arith.constant 20 : i32
    %dma_start3A_243 = arith.constant 4 : i32
    %dma_start3A_244 = arith.constant 0 : i32
    %dma_start3A_245 = arith.constant 0 : i32
    %dma_start3A_246 = tpu.memref_slice %arg8[%dma_start3A_243, %dma_start3A_244, %dma_start3A_245] : memref<8x26x128xf32, #tpu.memory_space<vmem>> -> memref<1x26x128xf32, #tpu.memory_space<vmem>>
    %dma_start3A_247 = tpu.memref_squeeze %dma_start3A_246 : memref<1x26x128xf32, #tpu.memory_space<vmem>> -> memref<26x128xf32, #tpu.memory_space<vmem>>
    %dma_start3A_248 = arith.constant 0 : i32
    %dma_start3A_249 = tpu.memref_slice %arg5[%dma_start3A_242, %dma_start3A_248] : memref<512x26xi32, #tpu.memory_space<vmem>> -> memref<1x26xi32, #tpu.memory_space<vmem>>
    %dma_start3A_250 = tpu.memref_squeeze %dma_start3A_249 : memref<1x26xi32, #tpu.memory_space<vmem>> -> memref<26xi32, #tpu.memory_space<vmem>>
    %dma_start3A_251 = arith.constant 0 : i32
    %dma_start3A_252 = arith.constant 0 : i32
    %dma_start3A_253 = tpu.memref_slice %arg3[%dma_start3A_251, %dma_start3A_252] : memref<1000000x128xf32, #tpu.memory_space<hbm>> -> memref<1000000x128xf32, #tpu.memory_space<hbm>>
    tpu.enqueue_indirect_dma source(%dma_start3A_253 : memref<1000000x128xf32, #tpu.memory_space<hbm>>) target(%dma_start3A_247 : memref<26x128xf32, #tpu.memory_space<vmem>>) offsets(%dma_start3A_250 : memref<26xi32, #tpu.memory_space<vmem>>) semaphore(%arg10 : memref<!tpu.dma_semaphore, #tpu.memory_space<semaphore_mem>>)
    %dma_start3A_254 = arith.constant 21 : i32
    %dma_start3A_255 = arith.constant 5 : i32
    %dma_start3A_256 = arith.constant 0 : i32
    %dma_start3A_257 = arith.constant 0 : i32
    %dma_start3A_258 = tpu.memref_slice %arg8[%dma_start3A_255, %dma_start3A_256, %dma_start3A_257] : memref<8x26x128xf32, #tpu.memory_space<vmem>> -> memref<1x26x128xf32, #tpu.memory_space<vmem>>
    %dma_start3A_259 = tpu.memref_squeeze %dma_start3A_258 : memref<1x26x128xf32, #tpu.memory_space<vmem>> -> memref<26x128xf32, #tpu.memory_space<vmem>>
    %dma_start3A_260 = arith.constant 0 : i32
    %dma_start3A_261 = tpu.memref_slice %arg5[%dma_start3A_254, %dma_start3A_260] : memref<512x26xi32, #tpu.memory_space<vmem>> -> memref<1x26xi32, #tpu.memory_space<vmem>>
    %dma_start3A_262 = tpu.memref_squeeze %dma_start3A_261 : memref<1x26xi32, #tpu.memory_space<vmem>> -> memref<26xi32, #tpu.memory_space<vmem>>
    %dma_start3A_263 = arith.constant 0 : i32
    %dma_start3A_264 = arith.constant 0 : i32
    %dma_start3A_265 = tpu.memref_slice %arg3[%dma_start3A_263, %dma_start3A_264] : memref<1000000x128xf32, #tpu.memory_space<hbm>> -> memref<1000000x128xf32, #tpu.memory_space<hbm>>
    tpu.enqueue_indirect_dma source(%dma_start3A_265 : memref<1000000x128xf32, #tpu.memory_space<hbm>>) target(%dma_start3A_259 : memref<26x128xf32, #tpu.memory_space<vmem>>) offsets(%dma_start3A_262 : memref<26xi32, #tpu.memory_space<vmem>>) semaphore(%arg10 : memref<!tpu.dma_semaphore, #tpu.memory_space<semaphore_mem>>)
    %dma_start3A_266 = arith.constant 22 : i32
    %dma_start3A_267 = arith.constant 6 : i32
    %dma_start3A_268 = arith.constant 0 : i32
    %dma_start3A_269 = arith.constant 0 : i32
    %dma_start3A_270 = tpu.memref_slice %arg8[%dma_start3A_267, %dma_start3A_268, %dma_start3A_269] : memref<8x26x128xf32, #tpu.memory_space<vmem>> -> memref<1x26x128xf32, #tpu.memory_space<vmem>>
    %dma_start3A_271 = tpu.memref_squeeze %dma_start3A_270 : memref<1x26x128xf32, #tpu.memory_space<vmem>> -> memref<26x128xf32, #tpu.memory_space<vmem>>
    %dma_start3A_272 = arith.constant 0 : i32
    %dma_start3A_273 = tpu.memref_slice %arg5[%dma_start3A_266, %dma_start3A_272] : memref<512x26xi32, #tpu.memory_space<vmem>> -> memref<1x26xi32, #tpu.memory_space<vmem>>
    %dma_start3A_274 = tpu.memref_squeeze %dma_start3A_273 : memref<1x26xi32, #tpu.memory_space<vmem>> -> memref<26xi32, #tpu.memory_space<vmem>>
    %dma_start3A_275 = arith.constant 0 : i32
    %dma_start3A_276 = arith.constant 0 : i32
    %dma_start3A_277 = tpu.memref_slice %arg3[%dma_start3A_275, %dma_start3A_276] : memref<1000000x128xf32, #tpu.memory_space<hbm>> -> memref<1000000x128xf32, #tpu.memory_space<hbm>>
    tpu.enqueue_indirect_dma source(%dma_start3A_277 : memref<1000000x128xf32, #tpu.memory_space<hbm>>) target(%dma_start3A_271 : memref<26x128xf32, #tpu.memory_space<vmem>>) offsets(%dma_start3A_274 : memref<26xi32, #tpu.memory_space<vmem>>) semaphore(%arg10 : memref<!tpu.dma_semaphore, #tpu.memory_space<semaphore_mem>>)
    %dma_start3A_278 = arith.constant 23 : i32
    %dma_start3A_279 = arith.constant 7 : i32
    %dma_start3A_280 = arith.constant 0 : i32
    %dma_start3A_281 = arith.constant 0 : i32
    %dma_start3A_282 = tpu.memref_slice %arg8[%dma_start3A_279, %dma_start3A_280, %dma_start3A_281] : memref<8x26x128xf32, #tpu.memory_space<vmem>> -> memref<1x26x128xf32, #tpu.memory_space<vmem>>
    %dma_start3A_283 = tpu.memref_squeeze %dma_start3A_282 : memref<1x26x128xf32, #tpu.memory_space<vmem>> -> memref<26x128xf32, #tpu.memory_space<vmem>>
    %dma_start3A_284 = arith.constant 0 : i32
    %dma_start3A_285 = tpu.memref_slice %arg5[%dma_start3A_278, %dma_start3A_284] : memref<512x26xi32, #tpu.memory_space<vmem>> -> memref<1x26xi32, #tpu.memory_space<vmem>>
    %dma_start3A_286 = tpu.memref_squeeze %dma_start3A_285 : memref<1x26xi32, #tpu.memory_space<vmem>> -> memref<26xi32, #tpu.memory_space<vmem>>
    %dma_start3A_287 = arith.constant 0 : i32
    %dma_start3A_288 = arith.constant 0 : i32
    %dma_start3A_289 = tpu.memref_slice %arg3[%dma_start3A_287, %dma_start3A_288] : memref<1000000x128xf32, #tpu.memory_space<hbm>> -> memref<1000000x128xf32, #tpu.memory_space<hbm>>
    tpu.enqueue_indirect_dma source(%dma_start3A_289 : memref<1000000x128xf32, #tpu.memory_space<hbm>>) target(%dma_start3A_283 : memref<26x128xf32, #tpu.memory_space<vmem>>) offsets(%dma_start3A_286 : memref<26xi32, #tpu.memory_space<vmem>>) semaphore(%arg10 : memref<!tpu.dma_semaphore, #tpu.memory_space<semaphore_mem>>)
    %scan3A = arith.constant 0 : i32
    %scan3A_290 = arith.constant 16 : i32
    %scan3A_291 = arith.addi %scan3A, %scan3A_290 : i32
    %scan3A_292 = arith.constant 1 : i32
    scf.for %scan3A_294 = %scan3A to %scan3A_291 step %scan3A_292  : i32 {
      %mul3A_295 = arith.constant 4 : i32
      %mul3A_296 = arith.muli %scan3A_294, %mul3A_295 : i32
      %add3A_297 = arith.constant 0 : i32
      %add3A_298 = arith.addi %add3A_297, %mul3A_296 : i32
      %dma_wait3A = arith.constant 0 : i32
      %dma_wait3A_299 = arith.constant 0 : i32
      %dma_wait3A_300 = tpu.memref_slice %arg3[%dma_wait3A, %dma_wait3A_299] : memref<1000000x128xf32, #tpu.memory_space<hbm>> -> memref<208x128xf32, #tpu.memory_space<hbm>>
      %dma_wait3A_301 = arith.constant 0 : i32
      %dma_wait3A_302 = arith.constant 0 : i32
      %dma_wait3A_303 = tpu.memref_slice %arg3[%dma_wait3A_301, %dma_wait3A_302] : memref<1000000x128xf32, #tpu.memory_space<hbm>> -> memref<208x128xf32, #tpu.memory_space<hbm>>
      tpu.wait_dma2 semaphore(%arg10 : memref<!tpu.dma_semaphore, #tpu.memory_space<semaphore_mem>>) src(%dma_wait3A_303 : memref<208x128xf32, #tpu.memory_space<hbm>>) dst(%arg6 : memref<8x26x128xf32, #tpu.memory_space<vmem>>)
      %add3A_304 = arith.constant 0 : i32
      %add3A_305 = arith.addi %add3A_298, %add3A_304 : i32
      %mul3A_306 = arith.constant 8 : i32
      %mul3A_307 = arith.muli %add3A_305, %mul3A_306 : i32
      %add3A_308 = arith.addi %mul3A_2, %mul3A_307 : i32
      "tpu.region"() ({
        %run_scoped3A = tpu.sem_alloc : memref<!tpu.dma_semaphore, #tpu.memory_space<semaphore_mem>>
        %dma_start3A_382 = arith.constant 0 : i32
        %dma_start3A_383 = arith.constant 0 : i32
        %dma_start3A_384 = arith.constant 0 : i32
        %dma_start3A_385 = tpu.memref_slice %arg6[%dma_start3A_382, %dma_start3A_383, %dma_start3A_384] : memref<8x26x128xf32, #tpu.memory_space<vmem>> -> memref<8x26x64xf32, #tpu.memory_space<vmem>>
        %dma_start3A_386 = arith.constant 0 : i32
        %dma_start3A_387 = arith.constant 0 : i32
        %dma_start3A_388 = tpu.memref_slice %arg4[%add3A_308, %dma_start3A_386, %dma_start3A_387] : memref<16384x26x64xf32, #tpu.memory_space<hbm>> -> memref<8x26x64xf32, #tpu.memory_space<hbm>>
        %dma_start3A_389 = arith.constant 0 : i32
        %dma_start3A_390 = arith.constant 0 : i32
        %dma_start3A_391 = tpu.memref_slice %arg4[%add3A_308, %dma_start3A_389, %dma_start3A_390] : memref<16384x26x64xf32, #tpu.memory_space<hbm>> -> memref<8x26x64xf32, #tpu.memory_space<hbm>>
        %dma_start3A_392 = arith.constant 0 : i32
        %dma_start3A_393 = arith.constant 0 : i32
        %dma_start3A_394 = arith.constant 0 : i32
        %dma_start3A_395 = tpu.memref_slice %arg6[%dma_start3A_392, %dma_start3A_393, %dma_start3A_394] : memref<8x26x128xf32, #tpu.memory_space<vmem>> -> memref<8x26x64xf32, #tpu.memory_space<vmem>>
        tpu.enqueue_dma source(%dma_start3A_395 : memref<8x26x64xf32, #tpu.memory_space<vmem>>) target(%dma_start3A_391 : memref<8x26x64xf32, #tpu.memory_space<hbm>>) target_semaphore(%run_scoped3A : memref<!tpu.dma_semaphore, #tpu.memory_space<semaphore_mem>>)
        %dma_wait3A_396 = arith.constant 0 : i32
        %dma_wait3A_397 = arith.constant 0 : i32
        %dma_wait3A_398 = arith.constant 0 : i32
        %dma_wait3A_399 = tpu.memref_slice %arg6[%dma_wait3A_396, %dma_wait3A_397, %dma_wait3A_398] : memref<8x26x128xf32, #tpu.memory_space<vmem>> -> memref<8x26x64xf32, #tpu.memory_space<vmem>>
        %dma_wait3A_400 = arith.constant 0 : i32
        %dma_wait3A_401 = arith.constant 0 : i32
        %dma_wait3A_402 = tpu.memref_slice %arg4[%add3A_308, %dma_wait3A_400, %dma_wait3A_401] : memref<16384x26x64xf32, #tpu.memory_space<hbm>> -> memref<8x26x64xf32, #tpu.memory_space<hbm>>
        %dma_wait3A_403 = arith.constant 0 : i32
        %dma_wait3A_404 = arith.constant 0 : i32
        %dma_wait3A_405 = tpu.memref_slice %arg4[%add3A_308, %dma_wait3A_403, %dma_wait3A_404] : memref<16384x26x64xf32, #tpu.memory_space<hbm>> -> memref<8x26x64xf32, #tpu.memory_space<hbm>>
        %dma_wait3A_406 = arith.constant 0 : i32
        %dma_wait3A_407 = arith.constant 0 : i32
        %dma_wait3A_408 = arith.constant 0 : i32
        %dma_wait3A_409 = tpu.memref_slice %arg6[%dma_wait3A_406, %dma_wait3A_407, %dma_wait3A_408] : memref<8x26x128xf32, #tpu.memory_space<vmem>> -> memref<8x26x64xf32, #tpu.memory_space<vmem>>
        tpu.wait_dma2 semaphore(%run_scoped3A : memref<!tpu.dma_semaphore, #tpu.memory_space<semaphore_mem>>) src(%dma_wait3A_409 : memref<8x26x64xf32, #tpu.memory_space<vmem>>) dst(%dma_wait3A_405 : memref<8x26x64xf32, #tpu.memory_space<hbm>>)
        tpu.yield
      }) : () -> ()
      %add3A_309 = arith.constant 0 : i32
      %add3A_310 = arith.addi %add3A_298, %add3A_309 : i32
      %add3A_311 = arith.constant 4 : i32
      %add3A_312 = arith.addi %add3A_310, %add3A_311 : i32
      %sub3A = arith.constant 1 : i32
      %sub3A_313 = arith.subi %add3A_312, %sub3A : i32
      %lt3A = arith.constant 64 : i32
      %lt3A_314 = arith.cmpi slt, %sub3A_313, %lt3A : i32
      %convert_element_type3A = arith.extui %lt3A_314 : i1 to i32
      %cond3A = arith.constant 0 : i32
      %cond3A_315 = arith.cmpi ne, %convert_element_type3A, %cond3A : i32
      scf.if %cond3A_315 {
        %add3A_382 = arith.constant 0 : i32
        %add3A_383 = arith.addi %add3A_298, %add3A_382 : i32
        %add3A_384 = arith.constant 4 : i32
        %add3A_385 = arith.addi %add3A_383, %add3A_384 : i32
        %sub3A_386 = arith.constant 1 : i32
        %sub3A_387 = arith.subi %add3A_385, %sub3A_386 : i32
        %mul3A_388 = arith.constant 8 : i32
        %mul3A_389 = arith.muli %sub3A_387, %mul3A_388 : i32
        %add3A_390 = arith.constant 0 : i32
        %add3A_391 = arith.addi %mul3A_389, %add3A_390 : i32
        %dma_start3A_392 = arith.constant 0 : i32
        %dma_start3A_393 = arith.constant 0 : i32
        %dma_start3A_394 = arith.constant 0 : i32
        %dma_start3A_395 = tpu.memref_slice %arg9[%dma_start3A_392, %dma_start3A_393, %dma_start3A_394] : memref<8x26x128xf32, #tpu.memory_space<vmem>> -> memref<1x26x128xf32, #tpu.memory_space<vmem>>
        %dma_start3A_396 = tpu.memref_squeeze %dma_start3A_395 : memref<1x26x128xf32, #tpu.memory_space<vmem>> -> memref<26x128xf32, #tpu.memory_space<vmem>>
        %dma_start3A_397 = arith.constant 0 : i32
        %dma_start3A_398 = tpu.memref_slice %arg5[%add3A_391, %dma_start3A_397] : memref<512x26xi32, #tpu.memory_space<vmem>> -> memref<1x26xi32, #tpu.memory_space<vmem>>
        %dma_start3A_399 = tpu.memref_squeeze %dma_start3A_398 : memref<1x26xi32, #tpu.memory_space<vmem>> -> memref<26xi32, #tpu.memory_space<vmem>>
        %dma_start3A_400 = arith.constant 0 : i32
        %dma_start3A_401 = arith.constant 0 : i32
        %dma_start3A_402 = tpu.memref_slice %arg3[%dma_start3A_400, %dma_start3A_401] : memref<1000000x128xf32, #tpu.memory_space<hbm>> -> memref<1000000x128xf32, #tpu.memory_space<hbm>>
        tpu.enqueue_indirect_dma source(%dma_start3A_402 : memref<1000000x128xf32, #tpu.memory_space<hbm>>) target(%dma_start3A_396 : memref<26x128xf32, #tpu.memory_space<vmem>>) offsets(%dma_start3A_399 : memref<26xi32, #tpu.memory_space<vmem>>) semaphore(%arg10 : memref<!tpu.dma_semaphore, #tpu.memory_space<semaphore_mem>>)
        %mul3A_403 = arith.constant 8 : i32
        %mul3A_404 = arith.muli %sub3A_387, %mul3A_403 : i32
        %add3A_405 = arith.constant 1 : i32
        %add3A_406 = arith.addi %mul3A_404, %add3A_405 : i32
        %dma_start3A_407 = arith.constant 1 : i32
        %dma_start3A_408 = arith.constant 0 : i32
        %dma_start3A_409 = arith.constant 0 : i32
        %dma_start3A_410 = tpu.memref_slice %arg9[%dma_start3A_407, %dma_start3A_408, %dma_start3A_409] : memref<8x26x128xf32, #tpu.memory_space<vmem>> -> memref<1x26x128xf32, #tpu.memory_space<vmem>>
        %dma_start3A_411 = tpu.memref_squeeze %dma_start3A_410 : memref<1x26x128xf32, #tpu.memory_space<vmem>> -> memref<26x128xf32, #tpu.memory_space<vmem>>
        %dma_start3A_412 = arith.constant 0 : i32
        %dma_start3A_413 = tpu.memref_slice %arg5[%add3A_406, %dma_start3A_412] : memref<512x26xi32, #tpu.memory_space<vmem>> -> memref<1x26xi32, #tpu.memory_space<vmem>>
        %dma_start3A_414 = tpu.memref_squeeze %dma_start3A_413 : memref<1x26xi32, #tpu.memory_space<vmem>> -> memref<26xi32, #tpu.memory_space<vmem>>
        %dma_start3A_415 = arith.constant 0 : i32
        %dma_start3A_416 = arith.constant 0 : i32
        %dma_start3A_417 = tpu.memref_slice %arg3[%dma_start3A_415, %dma_start3A_416] : memref<1000000x128xf32, #tpu.memory_space<hbm>> -> memref<1000000x128xf32, #tpu.memory_space<hbm>>
        tpu.enqueue_indirect_dma source(%dma_start3A_417 : memref<1000000x128xf32, #tpu.memory_space<hbm>>) target(%dma_start3A_411 : memref<26x128xf32, #tpu.memory_space<vmem>>) offsets(%dma_start3A_414 : memref<26xi32, #tpu.memory_space<vmem>>) semaphore(%arg10 : memref<!tpu.dma_semaphore, #tpu.memory_space<semaphore_mem>>)
        %mul3A_418 = arith.constant 8 : i32
        %mul3A_419 = arith.muli %sub3A_387, %mul3A_418 : i32
        %add3A_420 = arith.constant 2 : i32
        %add3A_421 = arith.addi %mul3A_419, %add3A_420 : i32
        %dma_start3A_422 = arith.constant 2 : i32
        %dma_start3A_423 = arith.constant 0 : i32
        %dma_start3A_424 = arith.constant 0 : i32
        %dma_start3A_425 = tpu.memref_slice %arg9[%dma_start3A_422, %dma_start3A_423, %dma_start3A_424] : memref<8x26x128xf32, #tpu.memory_space<vmem>> -> memref<1x26x128xf32, #tpu.memory_space<vmem>>
        %dma_start3A_426 = tpu.memref_squeeze %dma_start3A_425 : memref<1x26x128xf32, #tpu.memory_space<vmem>> -> memref<26x128xf32, #tpu.memory_space<vmem>>
        %dma_start3A_427 = arith.constant 0 : i32
        %dma_start3A_428 = tpu.memref_slice %arg5[%add3A_421, %dma_start3A_427] : memref<512x26xi32, #tpu.memory_space<vmem>> -> memref<1x26xi32, #tpu.memory_space<vmem>>
        %dma_start3A_429 = tpu.memref_squeeze %dma_start3A_428 : memref<1x26xi32, #tpu.memory_space<vmem>> -> memref<26xi32, #tpu.memory_space<vmem>>
        %dma_start3A_430 = arith.constant 0 : i32
        %dma_start3A_431 = arith.constant 0 : i32
        %dma_start3A_432 = tpu.memref_slice %arg3[%dma_start3A_430, %dma_start3A_431] : memref<1000000x128xf32, #tpu.memory_space<hbm>> -> memref<1000000x128xf32, #tpu.memory_space<hbm>>
        tpu.enqueue_indirect_dma source(%dma_start3A_432 : memref<1000000x128xf32, #tpu.memory_space<hbm>>) target(%dma_start3A_426 : memref<26x128xf32, #tpu.memory_space<vmem>>) offsets(%dma_start3A_429 : memref<26xi32, #tpu.memory_space<vmem>>) semaphore(%arg10 : memref<!tpu.dma_semaphore, #tpu.memory_space<semaphore_mem>>)
        %mul3A_433 = arith.constant 8 : i32
        %mul3A_434 = arith.muli %sub3A_387, %mul3A_433 : i32
        %add3A_435 = arith.constant 3 : i32
        %add3A_436 = arith.addi %mul3A_434, %add3A_435 : i32
        %dma_start3A_437 = arith.constant 3 : i32
        %dma_start3A_438 = arith.constant 0 : i32
        %dma_start3A_439 = arith.constant 0 : i32
        %dma_start3A_440 = tpu.memref_slice %arg9[%dma_start3A_437, %dma_start3A_438, %dma_start3A_439] : memref<8x26x128xf32, #tpu.memory_space<vmem>> -> memref<1x26x128xf32, #tpu.memory_space<vmem>>
        %dma_start3A_441 = tpu.memref_squeeze %dma_start3A_440 : memref<1x26x128xf32, #tpu.memory_space<vmem>> -> memref<26x128xf32, #tpu.memory_space<vmem>>
        %dma_start3A_442 = arith.constant 0 : i32
        %dma_start3A_443 = tpu.memref_slice %arg5[%add3A_436, %dma_start3A_442] : memref<512x26xi32, #tpu.memory_space<vmem>> -> memref<1x26xi32, #tpu.memory_space<vmem>>
        %dma_start3A_444 = tpu.memref_squeeze %dma_start3A_443 : memref<1x26xi32, #tpu.memory_space<vmem>> -> memref<26xi32, #tpu.memory_space<vmem>>
        %dma_start3A_445 = arith.constant 0 : i32
        %dma_start3A_446 = arith.constant 0 : i32
        %dma_start3A_447 = tpu.memref_slice %arg3[%dma_start3A_445, %dma_start3A_446] : memref<1000000x128xf32, #tpu.memory_space<hbm>> -> memref<1000000x128xf32, #tpu.memory_space<hbm>>
        tpu.enqueue_indirect_dma source(%dma_start3A_447 : memref<1000000x128xf32, #tpu.memory_space<hbm>>) target(%dma_start3A_441 : memref<26x128xf32, #tpu.memory_space<vmem>>) offsets(%dma_start3A_444 : memref<26xi32, #tpu.memory_space<vmem>>) semaphore(%arg10 : memref<!tpu.dma_semaphore, #tpu.memory_space<semaphore_mem>>)
        %mul3A_448 = arith.constant 8 : i32
        %mul3A_449 = arith.muli %sub3A_387, %mul3A_448 : i32
        %add3A_450 = arith.constant 4 : i32
        %add3A_451 = arith.addi %mul3A_449, %add3A_450 : i32
        %dma_start3A_452 = arith.constant 4 : i32
        %dma_start3A_453 = arith.constant 0 : i32
        %dma_start3A_454 = arith.constant 0 : i32
        %dma_start3A_455 = tpu.memref_slice %arg9[%dma_start3A_452, %dma_start3A_453, %dma_start3A_454] : memref<8x26x128xf32, #tpu.memory_space<vmem>> -> memref<1x26x128xf32, #tpu.memory_space<vmem>>
        %dma_start3A_456 = tpu.memref_squeeze %dma_start3A_455 : memref<1x26x128xf32, #tpu.memory_space<vmem>> -> memref<26x128xf32, #tpu.memory_space<vmem>>
        %dma_start3A_457 = arith.constant 0 : i32
        %dma_start3A_458 = tpu.memref_slice %arg5[%add3A_451, %dma_start3A_457] : memref<512x26xi32, #tpu.memory_space<vmem>> -> memref<1x26xi32, #tpu.memory_space<vmem>>
        %dma_start3A_459 = tpu.memref_squeeze %dma_start3A_458 : memref<1x26xi32, #tpu.memory_space<vmem>> -> memref<26xi32, #tpu.memory_space<vmem>>
        %dma_start3A_460 = arith.constant 0 : i32
        %dma_start3A_461 = arith.constant 0 : i32
        %dma_start3A_462 = tpu.memref_slice %arg3[%dma_start3A_460, %dma_start3A_461] : memref<1000000x128xf32, #tpu.memory_space<hbm>> -> memref<1000000x128xf32, #tpu.memory_space<hbm>>
        tpu.enqueue_indirect_dma source(%dma_start3A_462 : memref<1000000x128xf32, #tpu.memory_space<hbm>>) target(%dma_start3A_456 : memref<26x128xf32, #tpu.memory_space<vmem>>) offsets(%dma_start3A_459 : memref<26xi32, #tpu.memory_space<vmem>>) semaphore(%arg10 : memref<!tpu.dma_semaphore, #tpu.memory_space<semaphore_mem>>)
        %mul3A_463 = arith.constant 8 : i32
        %mul3A_464 = arith.muli %sub3A_387, %mul3A_463 : i32
        %add3A_465 = arith.constant 5 : i32
        %add3A_466 = arith.addi %mul3A_464, %add3A_465 : i32
        %dma_start3A_467 = arith.constant 5 : i32
        %dma_start3A_468 = arith.constant 0 : i32
        %dma_start3A_469 = arith.constant 0 : i32
        %dma_start3A_470 = tpu.memref_slice %arg9[%dma_start3A_467, %dma_start3A_468, %dma_start3A_469] : memref<8x26x128xf32, #tpu.memory_space<vmem>> -> memref<1x26x128xf32, #tpu.memory_space<vmem>>
        %dma_start3A_471 = tpu.memref_squeeze %dma_start3A_470 : memref<1x26x128xf32, #tpu.memory_space<vmem>> -> memref<26x128xf32, #tpu.memory_space<vmem>>
        %dma_start3A_472 = arith.constant 0 : i32
        %dma_start3A_473 = tpu.memref_slice %arg5[%add3A_466, %dma_start3A_472] : memref<512x26xi32, #tpu.memory_space<vmem>> -> memref<1x26xi32, #tpu.memory_space<vmem>>
        %dma_start3A_474 = tpu.memref_squeeze %dma_start3A_473 : memref<1x26xi32, #tpu.memory_space<vmem>> -> memref<26xi32, #tpu.memory_space<vmem>>
        %dma_start3A_475 = arith.constant 0 : i32
        %dma_start3A_476 = arith.constant 0 : i32
        %dma_start3A_477 = tpu.memref_slice %arg3[%dma_start3A_475, %dma_start3A_476] : memref<1000000x128xf32, #tpu.memory_space<hbm>> -> memref<1000000x128xf32, #tpu.memory_space<hbm>>
        tpu.enqueue_indirect_dma source(%dma_start3A_477 : memref<1000000x128xf32, #tpu.memory_space<hbm>>) target(%dma_start3A_471 : memref<26x128xf32, #tpu.memory_space<vmem>>) offsets(%dma_start3A_474 : memref<26xi32, #tpu.memory_space<vmem>>) semaphore(%arg10 : memref<!tpu.dma_semaphore, #tpu.memory_space<semaphore_mem>>)
        %mul3A_478 = arith.constant 8 : i32
        %mul3A_479 = arith.muli %sub3A_387, %mul3A_478 : i32
        %add3A_480 = arith.constant 6 : i32
        %add3A_481 = arith.addi %mul3A_479, %add3A_480 : i32
        %dma_start3A_482 = arith.constant 6 : i32
        %dma_start3A_483 = arith.constant 0 : i32
        %dma_start3A_484 = arith.constant 0 : i32
        %dma_start3A_485 = tpu.memref_slice %arg9[%dma_start3A_482, %dma_start3A_483, %dma_start3A_484] : memref<8x26x128xf32, #tpu.memory_space<vmem>> -> memref<1x26x128xf32, #tpu.memory_space<vmem>>
        %dma_start3A_486 = tpu.memref_squeeze %dma_start3A_485 : memref<1x26x128xf32, #tpu.memory_space<vmem>> -> memref<26x128xf32, #tpu.memory_space<vmem>>
        %dma_start3A_487 = arith.constant 0 : i32
        %dma_start3A_488 = tpu.memref_slice %arg5[%add3A_481, %dma_start3A_487] : memref<512x26xi32, #tpu.memory_space<vmem>> -> memref<1x26xi32, #tpu.memory_space<vmem>>
        %dma_start3A_489 = tpu.memref_squeeze %dma_start3A_488 : memref<1x26xi32, #tpu.memory_space<vmem>> -> memref<26xi32, #tpu.memory_space<vmem>>
        %dma_start3A_490 = arith.constant 0 : i32
        %dma_start3A_491 = arith.constant 0 : i32
        %dma_start3A_492 = tpu.memref_slice %arg3[%dma_start3A_490, %dma_start3A_491] : memref<1000000x128xf32, #tpu.memory_space<hbm>> -> memref<1000000x128xf32, #tpu.memory_space<hbm>>
        tpu.enqueue_indirect_dma source(%dma_start3A_492 : memref<1000000x128xf32, #tpu.memory_space<hbm>>) target(%dma_start3A_486 : memref<26x128xf32, #tpu.memory_space<vmem>>) offsets(%dma_start3A_489 : memref<26xi32, #tpu.memory_space<vmem>>) semaphore(%arg10 : memref<!tpu.dma_semaphore, #tpu.memory_space<semaphore_mem>>)
        %mul3A_493 = arith.constant 8 : i32
        %mul3A_494 = arith.muli %sub3A_387, %mul3A_493 : i32
        %add3A_495 = arith.constant 7 : i32
        %add3A_496 = arith.addi %mul3A_494, %add3A_495 : i32
        %dma_start3A_497 = arith.constant 7 : i32
        %dma_start3A_498 = arith.constant 0 : i32
        %dma_start3A_499 = arith.constant 0 : i32
        %dma_start3A_500 = tpu.memref_slice %arg9[%dma_start3A_497, %dma_start3A_498, %dma_start3A_499] : memref<8x26x128xf32, #tpu.memory_space<vmem>> -> memref<1x26x128xf32, #tpu.memory_space<vmem>>
        %dma_start3A_501 = tpu.memref_squeeze %dma_start3A_500 : memref<1x26x128xf32, #tpu.memory_space<vmem>> -> memref<26x128xf32, #tpu.memory_space<vmem>>
        %dma_start3A_502 = arith.constant 0 : i32
        %dma_start3A_503 = tpu.memref_slice %arg5[%add3A_496, %dma_start3A_502] : memref<512x26xi32, #tpu.memory_space<vmem>> -> memref<1x26xi32, #tpu.memory_space<vmem>>
        %dma_start3A_504 = tpu.memref_squeeze %dma_start3A_503 : memref<1x26xi32, #tpu.memory_space<vmem>> -> memref<26xi32, #tpu.memory_space<vmem>>
        %dma_start3A_505 = arith.constant 0 : i32
        %dma_start3A_506 = arith.constant 0 : i32
        %dma_start3A_507 = tpu.memref_slice %arg3[%dma_start3A_505, %dma_start3A_506] : memref<1000000x128xf32, #tpu.memory_space<hbm>> -> memref<1000000x128xf32, #tpu.memory_space<hbm>>
        tpu.enqueue_indirect_dma source(%dma_start3A_507 : memref<1000000x128xf32, #tpu.memory_space<hbm>>) target(%dma_start3A_501 : memref<26x128xf32, #tpu.memory_space<vmem>>) offsets(%dma_start3A_504 : memref<26xi32, #tpu.memory_space<vmem>>) semaphore(%arg10 : memref<!tpu.dma_semaphore, #tpu.memory_space<semaphore_mem>>)
      } else {
      }
      %dma_wait3A_316 = arith.constant 0 : i32
      %dma_wait3A_317 = arith.constant 0 : i32
      %dma_wait3A_318 = tpu.memref_slice %arg3[%dma_wait3A_316, %dma_wait3A_317] : memref<1000000x128xf32, #tpu.memory_space<hbm>> -> memref<208x128xf32, #tpu.memory_space<hbm>>
      %dma_wait3A_319 = arith.constant 0 : i32
      %dma_wait3A_320 = arith.constant 0 : i32
      %dma_wait3A_321 = tpu.memref_slice %arg3[%dma_wait3A_319, %dma_wait3A_320] : memref<1000000x128xf32, #tpu.memory_space<hbm>> -> memref<208x128xf32, #tpu.memory_space<hbm>>
      tpu.wait_dma2 semaphore(%arg10 : memref<!tpu.dma_semaphore, #tpu.memory_space<semaphore_mem>>) src(%dma_wait3A_321 : memref<208x128xf32, #tpu.memory_space<hbm>>) dst(%arg7 : memref<8x26x128xf32, #tpu.memory_space<vmem>>)
      %add3A_322 = arith.constant 1 : i32
      %add3A_323 = arith.addi %add3A_298, %add3A_322 : i32
      %mul3A_324 = arith.constant 8 : i32
      %mul3A_325 = arith.muli %add3A_323, %mul3A_324 : i32
      %add3A_326 = arith.addi %mul3A_2, %mul3A_325 : i32
      "tpu.region"() ({
        %run_scoped3A = tpu.sem_alloc : memref<!tpu.dma_semaphore, #tpu.memory_space<semaphore_mem>>
        %dma_start3A_382 = arith.constant 0 : i32
        %dma_start3A_383 = arith.constant 0 : i32
        %dma_start3A_384 = arith.constant 0 : i32
        %dma_start3A_385 = tpu.memref_slice %arg7[%dma_start3A_382, %dma_start3A_383, %dma_start3A_384] : memref<8x26x128xf32, #tpu.memory_space<vmem>> -> memref<8x26x64xf32, #tpu.memory_space<vmem>>
        %dma_start3A_386 = arith.constant 0 : i32
        %dma_start3A_387 = arith.constant 0 : i32
        %dma_start3A_388 = tpu.memref_slice %arg4[%add3A_326, %dma_start3A_386, %dma_start3A_387] : memref<16384x26x64xf32, #tpu.memory_space<hbm>> -> memref<8x26x64xf32, #tpu.memory_space<hbm>>
        %dma_start3A_389 = arith.constant 0 : i32
        %dma_start3A_390 = arith.constant 0 : i32
        %dma_start3A_391 = tpu.memref_slice %arg4[%add3A_326, %dma_start3A_389, %dma_start3A_390] : memref<16384x26x64xf32, #tpu.memory_space<hbm>> -> memref<8x26x64xf32, #tpu.memory_space<hbm>>
        %dma_start3A_392 = arith.constant 0 : i32
        %dma_start3A_393 = arith.constant 0 : i32
        %dma_start3A_394 = arith.constant 0 : i32
        %dma_start3A_395 = tpu.memref_slice %arg7[%dma_start3A_392, %dma_start3A_393, %dma_start3A_394] : memref<8x26x128xf32, #tpu.memory_space<vmem>> -> memref<8x26x64xf32, #tpu.memory_space<vmem>>
        tpu.enqueue_dma source(%dma_start3A_395 : memref<8x26x64xf32, #tpu.memory_space<vmem>>) target(%dma_start3A_391 : memref<8x26x64xf32, #tpu.memory_space<hbm>>) target_semaphore(%run_scoped3A : memref<!tpu.dma_semaphore, #tpu.memory_space<semaphore_mem>>)
        %dma_wait3A_396 = arith.constant 0 : i32
        %dma_wait3A_397 = arith.constant 0 : i32
        %dma_wait3A_398 = arith.constant 0 : i32
        %dma_wait3A_399 = tpu.memref_slice %arg7[%dma_wait3A_396, %dma_wait3A_397, %dma_wait3A_398] : memref<8x26x128xf32, #tpu.memory_space<vmem>> -> memref<8x26x64xf32, #tpu.memory_space<vmem>>
        %dma_wait3A_400 = arith.constant 0 : i32
        %dma_wait3A_401 = arith.constant 0 : i32
        %dma_wait3A_402 = tpu.memref_slice %arg4[%add3A_326, %dma_wait3A_400, %dma_wait3A_401] : memref<16384x26x64xf32, #tpu.memory_space<hbm>> -> memref<8x26x64xf32, #tpu.memory_space<hbm>>
        %dma_wait3A_403 = arith.constant 0 : i32
        %dma_wait3A_404 = arith.constant 0 : i32
        %dma_wait3A_405 = tpu.memref_slice %arg4[%add3A_326, %dma_wait3A_403, %dma_wait3A_404] : memref<16384x26x64xf32, #tpu.memory_space<hbm>> -> memref<8x26x64xf32, #tpu.memory_space<hbm>>
        %dma_wait3A_406 = arith.constant 0 : i32
        %dma_wait3A_407 = arith.constant 0 : i32
        %dma_wait3A_408 = arith.constant 0 : i32
        %dma_wait3A_409 = tpu.memref_slice %arg7[%dma_wait3A_406, %dma_wait3A_407, %dma_wait3A_408] : memref<8x26x128xf32, #tpu.memory_space<vmem>> -> memref<8x26x64xf32, #tpu.memory_space<vmem>>
        tpu.wait_dma2 semaphore(%run_scoped3A : memref<!tpu.dma_semaphore, #tpu.memory_space<semaphore_mem>>) src(%dma_wait3A_409 : memref<8x26x64xf32, #tpu.memory_space<vmem>>) dst(%dma_wait3A_405 : memref<8x26x64xf32, #tpu.memory_space<hbm>>)
        tpu.yield
      }) : () -> ()
      %add3A_327 = arith.constant 1 : i32
      %add3A_328 = arith.addi %add3A_298, %add3A_327 : i32
      %add3A_329 = arith.constant 4 : i32
      %add3A_330 = arith.addi %add3A_328, %add3A_329 : i32
      %sub3A_331 = arith.constant 1 : i32
      %sub3A_332 = arith.subi %add3A_330, %sub3A_331 : i32
      %lt3A_333 = arith.constant 64 : i32
      %lt3A_334 = arith.cmpi slt, %sub3A_332, %lt3A_333 : i32
      %convert_element_type3A_335 = arith.extui %lt3A_334 : i1 to i32
      %cond3A_336 = arith.constant 0 : i32
      %cond3A_337 = arith.cmpi ne, %convert_element_type3A_335, %cond3A_336 : i32
      scf.if %cond3A_337 {
        %add3A_382 = arith.constant 1 : i32
        %add3A_383 = arith.addi %add3A_298, %add3A_382 : i32
        %add3A_384 = arith.constant 4 : i32
        %add3A_385 = arith.addi %add3A_383, %add3A_384 : i32
        %sub3A_386 = arith.constant 1 : i32
        %sub3A_387 = arith.subi %add3A_385, %sub3A_386 : i32
        %mul3A_388 = arith.constant 8 : i32
        %mul3A_389 = arith.muli %sub3A_387, %mul3A_388 : i32
        %add3A_390 = arith.constant 0 : i32
        %add3A_391 = arith.addi %mul3A_389, %add3A_390 : i32
        %dma_start3A_392 = arith.constant 0 : i32
        %dma_start3A_393 = arith.constant 0 : i32
        %dma_start3A_394 = arith.constant 0 : i32
        %dma_start3A_395 = tpu.memref_slice %arg6[%dma_start3A_392, %dma_start3A_393, %dma_start3A_394] : memref<8x26x128xf32, #tpu.memory_space<vmem>> -> memref<1x26x128xf32, #tpu.memory_space<vmem>>
        %dma_start3A_396 = tpu.memref_squeeze %dma_start3A_395 : memref<1x26x128xf32, #tpu.memory_space<vmem>> -> memref<26x128xf32, #tpu.memory_space<vmem>>
        %dma_start3A_397 = arith.constant 0 : i32
        %dma_start3A_398 = tpu.memref_slice %arg5[%add3A_391, %dma_start3A_397] : memref<512x26xi32, #tpu.memory_space<vmem>> -> memref<1x26xi32, #tpu.memory_space<vmem>>
        %dma_start3A_399 = tpu.memref_squeeze %dma_start3A_398 : memref<1x26xi32, #tpu.memory_space<vmem>> -> memref<26xi32, #tpu.memory_space<vmem>>
        %dma_start3A_400 = arith.constant 0 : i32
        %dma_start3A_401 = arith.constant 0 : i32
        %dma_start3A_402 = tpu.memref_slice %arg3[%dma_start3A_400, %dma_start3A_401] : memref<1000000x128xf32, #tpu.memory_space<hbm>> -> memref<1000000x128xf32, #tpu.memory_space<hbm>>
        tpu.enqueue_indirect_dma source(%dma_start3A_402 : memref<1000000x128xf32, #tpu.memory_space<hbm>>) target(%dma_start3A_396 : memref<26x128xf32, #tpu.memory_space<vmem>>) offsets(%dma_start3A_399 : memref<26xi32, #tpu.memory_space<vmem>>) semaphore(%arg10 : memref<!tpu.dma_semaphore, #tpu.memory_space<semaphore_mem>>)
        %mul3A_403 = arith.constant 8 : i32
        %mul3A_404 = arith.muli %sub3A_387, %mul3A_403 : i32
        %add3A_405 = arith.constant 1 : i32
        %add3A_406 = arith.addi %mul3A_404, %add3A_405 : i32
        %dma_start3A_407 = arith.constant 1 : i32
        %dma_start3A_408 = arith.constant 0 : i32
        %dma_start3A_409 = arith.constant 0 : i32
        %dma_start3A_410 = tpu.memref_slice %arg6[%dma_start3A_407, %dma_start3A_408, %dma_start3A_409] : memref<8x26x128xf32, #tpu.memory_space<vmem>> -> memref<1x26x128xf32, #tpu.memory_space<vmem>>
        %dma_start3A_411 = tpu.memref_squeeze %dma_start3A_410 : memref<1x26x128xf32, #tpu.memory_space<vmem>> -> memref<26x128xf32, #tpu.memory_space<vmem>>
        %dma_start3A_412 = arith.constant 0 : i32
        %dma_start3A_413 = tpu.memref_slice %arg5[%add3A_406, %dma_start3A_412] : memref<512x26xi32, #tpu.memory_space<vmem>> -> memref<1x26xi32, #tpu.memory_space<vmem>>
        %dma_start3A_414 = tpu.memref_squeeze %dma_start3A_413 : memref<1x26xi32, #tpu.memory_space<vmem>> -> memref<26xi32, #tpu.memory_space<vmem>>
        %dma_start3A_415 = arith.constant 0 : i32
        %dma_start3A_416 = arith.constant 0 : i32
        %dma_start3A_417 = tpu.memref_slice %arg3[%dma_start3A_415, %dma_start3A_416] : memref<1000000x128xf32, #tpu.memory_space<hbm>> -> memref<1000000x128xf32, #tpu.memory_space<hbm>>
        tpu.enqueue_indirect_dma source(%dma_start3A_417 : memref<1000000x128xf32, #tpu.memory_space<hbm>>) target(%dma_start3A_411 : memref<26x128xf32, #tpu.memory_space<vmem>>) offsets(%dma_start3A_414 : memref<26xi32, #tpu.memory_space<vmem>>) semaphore(%arg10 : memref<!tpu.dma_semaphore, #tpu.memory_space<semaphore_mem>>)
        %mul3A_418 = arith.constant 8 : i32
        %mul3A_419 = arith.muli %sub3A_387, %mul3A_418 : i32
        %add3A_420 = arith.constant 2 : i32
        %add3A_421 = arith.addi %mul3A_419, %add3A_420 : i32
        %dma_start3A_422 = arith.constant 2 : i32
        %dma_start3A_423 = arith.constant 0 : i32
        %dma_start3A_424 = arith.constant 0 : i32
        %dma_start3A_425 = tpu.memref_slice %arg6[%dma_start3A_422, %dma_start3A_423, %dma_start3A_424] : memref<8x26x128xf32, #tpu.memory_space<vmem>> -> memref<1x26x128xf32, #tpu.memory_space<vmem>>
        %dma_start3A_426 = tpu.memref_squeeze %dma_start3A_425 : memref<1x26x128xf32, #tpu.memory_space<vmem>> -> memref<26x128xf32, #tpu.memory_space<vmem>>
        %dma_start3A_427 = arith.constant 0 : i32
        %dma_start3A_428 = tpu.memref_slice %arg5[%add3A_421, %dma_start3A_427] : memref<512x26xi32, #tpu.memory_space<vmem>> -> memref<1x26xi32, #tpu.memory_space<vmem>>
        %dma_start3A_429 = tpu.memref_squeeze %dma_start3A_428 : memref<1x26xi32, #tpu.memory_space<vmem>> -> memref<26xi32, #tpu.memory_space<vmem>>
        %dma_start3A_430 = arith.constant 0 : i32
        %dma_start3A_431 = arith.constant 0 : i32
        %dma_start3A_432 = tpu.memref_slice %arg3[%dma_start3A_430, %dma_start3A_431] : memref<1000000x128xf32, #tpu.memory_space<hbm>> -> memref<1000000x128xf32, #tpu.memory_space<hbm>>
        tpu.enqueue_indirect_dma source(%dma_start3A_432 : memref<1000000x128xf32, #tpu.memory_space<hbm>>) target(%dma_start3A_426 : memref<26x128xf32, #tpu.memory_space<vmem>>) offsets(%dma_start3A_429 : memref<26xi32, #tpu.memory_space<vmem>>) semaphore(%arg10 : memref<!tpu.dma_semaphore, #tpu.memory_space<semaphore_mem>>)
        %mul3A_433 = arith.constant 8 : i32
        %mul3A_434 = arith.muli %sub3A_387, %mul3A_433 : i32
        %add3A_435 = arith.constant 3 : i32
        %add3A_436 = arith.addi %mul3A_434, %add3A_435 : i32
        %dma_start3A_437 = arith.constant 3 : i32
        %dma_start3A_438 = arith.constant 0 : i32
        %dma_start3A_439 = arith.constant 0 : i32
        %dma_start3A_440 = tpu.memref_slice %arg6[%dma_start3A_437, %dma_start3A_438, %dma_start3A_439] : memref<8x26x128xf32, #tpu.memory_space<vmem>> -> memref<1x26x128xf32, #tpu.memory_space<vmem>>
        %dma_start3A_441 = tpu.memref_squeeze %dma_start3A_440 : memref<1x26x128xf32, #tpu.memory_space<vmem>> -> memref<26x128xf32, #tpu.memory_space<vmem>>
        %dma_start3A_442 = arith.constant 0 : i32
        %dma_start3A_443 = tpu.memref_slice %arg5[%add3A_436, %dma_start3A_442] : memref<512x26xi32, #tpu.memory_space<vmem>> -> memref<1x26xi32, #tpu.memory_space<vmem>>
        %dma_start3A_444 = tpu.memref_squeeze %dma_start3A_443 : memref<1x26xi32, #tpu.memory_space<vmem>> -> memref<26xi32, #tpu.memory_space<vmem>>
        %dma_start3A_445 = arith.constant 0 : i32
        %dma_start3A_446 = arith.constant 0 : i32
        %dma_start3A_447 = tpu.memref_slice %arg3[%dma_start3A_445, %dma_start3A_446] : memref<1000000x128xf32, #tpu.memory_space<hbm>> -> memref<1000000x128xf32, #tpu.memory_space<hbm>>
        tpu.enqueue_indirect_dma source(%dma_start3A_447 : memref<1000000x128xf32, #tpu.memory_space<hbm>>) target(%dma_start3A_441 : memref<26x128xf32, #tpu.memory_space<vmem>>) offsets(%dma_start3A_444 : memref<26xi32, #tpu.memory_space<vmem>>) semaphore(%arg10 : memref<!tpu.dma_semaphore, #tpu.memory_space<semaphore_mem>>)
        %mul3A_448 = arith.constant 8 : i32
        %mul3A_449 = arith.muli %sub3A_387, %mul3A_448 : i32
        %add3A_450 = arith.constant 4 : i32
        %add3A_451 = arith.addi %mul3A_449, %add3A_450 : i32
        %dma_start3A_452 = arith.constant 4 : i32
        %dma_start3A_453 = arith.constant 0 : i32
        %dma_start3A_454 = arith.constant 0 : i32
        %dma_start3A_455 = tpu.memref_slice %arg6[%dma_start3A_452, %dma_start3A_453, %dma_start3A_454] : memref<8x26x128xf32, #tpu.memory_space<vmem>> -> memref<1x26x128xf32, #tpu.memory_space<vmem>>
        %dma_start3A_456 = tpu.memref_squeeze %dma_start3A_455 : memref<1x26x128xf32, #tpu.memory_space<vmem>> -> memref<26x128xf32, #tpu.memory_space<vmem>>
        %dma_start3A_457 = arith.constant 0 : i32
        %dma_start3A_458 = tpu.memref_slice %arg5[%add3A_451, %dma_start3A_457] : memref<512x26xi32, #tpu.memory_space<vmem>> -> memref<1x26xi32, #tpu.memory_space<vmem>>
        %dma_start3A_459 = tpu.memref_squeeze %dma_start3A_458 : memref<1x26xi32, #tpu.memory_space<vmem>> -> memref<26xi32, #tpu.memory_space<vmem>>
        %dma_start3A_460 = arith.constant 0 : i32
        %dma_start3A_461 = arith.constant 0 : i32
        %dma_start3A_462 = tpu.memref_slice %arg3[%dma_start3A_460, %dma_start3A_461] : memref<1000000x128xf32, #tpu.memory_space<hbm>> -> memref<1000000x128xf32, #tpu.memory_space<hbm>>
        tpu.enqueue_indirect_dma source(%dma_start3A_462 : memref<1000000x128xf32, #tpu.memory_space<hbm>>) target(%dma_start3A_456 : memref<26x128xf32, #tpu.memory_space<vmem>>) offsets(%dma_start3A_459 : memref<26xi32, #tpu.memory_space<vmem>>) semaphore(%arg10 : memref<!tpu.dma_semaphore, #tpu.memory_space<semaphore_mem>>)
        %mul3A_463 = arith.constant 8 : i32
        %mul3A_464 = arith.muli %sub3A_387, %mul3A_463 : i32
        %add3A_465 = arith.constant 5 : i32
        %add3A_466 = arith.addi %mul3A_464, %add3A_465 : i32
        %dma_start3A_467 = arith.constant 5 : i32
        %dma_start3A_468 = arith.constant 0 : i32
        %dma_start3A_469 = arith.constant 0 : i32
        %dma_start3A_470 = tpu.memref_slice %arg6[%dma_start3A_467, %dma_start3A_468, %dma_start3A_469] : memref<8x26x128xf32, #tpu.memory_space<vmem>> -> memref<1x26x128xf32, #tpu.memory_space<vmem>>
        %dma_start3A_471 = tpu.memref_squeeze %dma_start3A_470 : memref<1x26x128xf32, #tpu.memory_space<vmem>> -> memref<26x128xf32, #tpu.memory_space<vmem>>
        %dma_start3A_472 = arith.constant 0 : i32
        %dma_start3A_473 = tpu.memref_slice %arg5[%add3A_466, %dma_start3A_472] : memref<512x26xi32, #tpu.memory_space<vmem>> -> memref<1x26xi32, #tpu.memory_space<vmem>>
        %dma_start3A_474 = tpu.memref_squeeze %dma_start3A_473 : memref<1x26xi32, #tpu.memory_space<vmem>> -> memref<26xi32, #tpu.memory_space<vmem>>
        %dma_start3A_475 = arith.constant 0 : i32
        %dma_start3A_476 = arith.constant 0 : i32
        %dma_start3A_477 = tpu.memref_slice %arg3[%dma_start3A_475, %dma_start3A_476] : memref<1000000x128xf32, #tpu.memory_space<hbm>> -> memref<1000000x128xf32, #tpu.memory_space<hbm>>
        tpu.enqueue_indirect_dma source(%dma_start3A_477 : memref<1000000x128xf32, #tpu.memory_space<hbm>>) target(%dma_start3A_471 : memref<26x128xf32, #tpu.memory_space<vmem>>) offsets(%dma_start3A_474 : memref<26xi32, #tpu.memory_space<vmem>>) semaphore(%arg10 : memref<!tpu.dma_semaphore, #tpu.memory_space<semaphore_mem>>)
        %mul3A_478 = arith.constant 8 : i32
        %mul3A_479 = arith.muli %sub3A_387, %mul3A_478 : i32
        %add3A_480 = arith.constant 6 : i32
        %add3A_481 = arith.addi %mul3A_479, %add3A_480 : i32
        %dma_start3A_482 = arith.constant 6 : i32
        %dma_start3A_483 = arith.constant 0 : i32
        %dma_start3A_484 = arith.constant 0 : i32
        %dma_start3A_485 = tpu.memref_slice %arg6[%dma_start3A_482, %dma_start3A_483, %dma_start3A_484] : memref<8x26x128xf32, #tpu.memory_space<vmem>> -> memref<1x26x128xf32, #tpu.memory_space<vmem>>
        %dma_start3A_486 = tpu.memref_squeeze %dma_start3A_485 : memref<1x26x128xf32, #tpu.memory_space<vmem>> -> memref<26x128xf32, #tpu.memory_space<vmem>>
        %dma_start3A_487 = arith.constant 0 : i32
        %dma_start3A_488 = tpu.memref_slice %arg5[%add3A_481, %dma_start3A_487] : memref<512x26xi32, #tpu.memory_space<vmem>> -> memref<1x26xi32, #tpu.memory_space<vmem>>
        %dma_start3A_489 = tpu.memref_squeeze %dma_start3A_488 : memref<1x26xi32, #tpu.memory_space<vmem>> -> memref<26xi32, #tpu.memory_space<vmem>>
        %dma_start3A_490 = arith.constant 0 : i32
        %dma_start3A_491 = arith.constant 0 : i32
        %dma_start3A_492 = tpu.memref_slice %arg3[%dma_start3A_490, %dma_start3A_491] : memref<1000000x128xf32, #tpu.memory_space<hbm>> -> memref<1000000x128xf32, #tpu.memory_space<hbm>>
        tpu.enqueue_indirect_dma source(%dma_start3A_492 : memref<1000000x128xf32, #tpu.memory_space<hbm>>) target(%dma_start3A_486 : memref<26x128xf32, #tpu.memory_space<vmem>>) offsets(%dma_start3A_489 : memref<26xi32, #tpu.memory_space<vmem>>) semaphore(%arg10 : memref<!tpu.dma_semaphore, #tpu.memory_space<semaphore_mem>>)
        %mul3A_493 = arith.constant 8 : i32
        %mul3A_494 = arith.muli %sub3A_387, %mul3A_493 : i32
        %add3A_495 = arith.constant 7 : i32
        %add3A_496 = arith.addi %mul3A_494, %add3A_495 : i32
        %dma_start3A_497 = arith.constant 7 : i32
        %dma_start3A_498 = arith.constant 0 : i32
        %dma_start3A_499 = arith.constant 0 : i32
        %dma_start3A_500 = tpu.memref_slice %arg6[%dma_start3A_497, %dma_start3A_498, %dma_start3A_499] : memref<8x26x128xf32, #tpu.memory_space<vmem>> -> memref<1x26x128xf32, #tpu.memory_space<vmem>>
        %dma_start3A_501 = tpu.memref_squeeze %dma_start3A_500 : memref<1x26x128xf32, #tpu.memory_space<vmem>> -> memref<26x128xf32, #tpu.memory_space<vmem>>
        %dma_start3A_502 = arith.constant 0 : i32
        %dma_start3A_503 = tpu.memref_slice %arg5[%add3A_496, %dma_start3A_502] : memref<512x26xi32, #tpu.memory_space<vmem>> -> memref<1x26xi32, #tpu.memory_space<vmem>>
        %dma_start3A_504 = tpu.memref_squeeze %dma_start3A_503 : memref<1x26xi32, #tpu.memory_space<vmem>> -> memref<26xi32, #tpu.memory_space<vmem>>
        %dma_start3A_505 = arith.constant 0 : i32
        %dma_start3A_506 = arith.constant 0 : i32
        %dma_start3A_507 = tpu.memref_slice %arg3[%dma_start3A_505, %dma_start3A_506] : memref<1000000x128xf32, #tpu.memory_space<hbm>> -> memref<1000000x128xf32, #tpu.memory_space<hbm>>
        tpu.enqueue_indirect_dma source(%dma_start3A_507 : memref<1000000x128xf32, #tpu.memory_space<hbm>>) target(%dma_start3A_501 : memref<26x128xf32, #tpu.memory_space<vmem>>) offsets(%dma_start3A_504 : memref<26xi32, #tpu.memory_space<vmem>>) semaphore(%arg10 : memref<!tpu.dma_semaphore, #tpu.memory_space<semaphore_mem>>)
      } else {
      }
      %dma_wait3A_338 = arith.constant 0 : i32
      %dma_wait3A_339 = arith.constant 0 : i32
      %dma_wait3A_340 = tpu.memref_slice %arg3[%dma_wait3A_338, %dma_wait3A_339] : memref<1000000x128xf32, #tpu.memory_space<hbm>> -> memref<208x128xf32, #tpu.memory_space<hbm>>
      %dma_wait3A_341 = arith.constant 0 : i32
      %dma_wait3A_342 = arith.constant 0 : i32
      %dma_wait3A_343 = tpu.memref_slice %arg3[%dma_wait3A_341, %dma_wait3A_342] : memref<1000000x128xf32, #tpu.memory_space<hbm>> -> memref<208x128xf32, #tpu.memory_space<hbm>>
      tpu.wait_dma2 semaphore(%arg10 : memref<!tpu.dma_semaphore, #tpu.memory_space<semaphore_mem>>) src(%dma_wait3A_343 : memref<208x128xf32, #tpu.memory_space<hbm>>) dst(%arg8 : memref<8x26x128xf32, #tpu.memory_space<vmem>>)
      %add3A_344 = arith.constant 2 : i32
      %add3A_345 = arith.addi %add3A_298, %add3A_344 : i32
      %mul3A_346 = arith.constant 8 : i32
      %mul3A_347 = arith.muli %add3A_345, %mul3A_346 : i32
      %add3A_348 = arith.addi %mul3A_2, %mul3A_347 : i32
      "tpu.region"() ({
        %run_scoped3A = tpu.sem_alloc : memref<!tpu.dma_semaphore, #tpu.memory_space<semaphore_mem>>
        %dma_start3A_382 = arith.constant 0 : i32
        %dma_start3A_383 = arith.constant 0 : i32
        %dma_start3A_384 = arith.constant 0 : i32
        %dma_start3A_385 = tpu.memref_slice %arg8[%dma_start3A_382, %dma_start3A_383, %dma_start3A_384] : memref<8x26x128xf32, #tpu.memory_space<vmem>> -> memref<8x26x64xf32, #tpu.memory_space<vmem>>
        %dma_start3A_386 = arith.constant 0 : i32
        %dma_start3A_387 = arith.constant 0 : i32
        %dma_start3A_388 = tpu.memref_slice %arg4[%add3A_348, %dma_start3A_386, %dma_start3A_387] : memref<16384x26x64xf32, #tpu.memory_space<hbm>> -> memref<8x26x64xf32, #tpu.memory_space<hbm>>
        %dma_start3A_389 = arith.constant 0 : i32
        %dma_start3A_390 = arith.constant 0 : i32
        %dma_start3A_391 = tpu.memref_slice %arg4[%add3A_348, %dma_start3A_389, %dma_start3A_390] : memref<16384x26x64xf32, #tpu.memory_space<hbm>> -> memref<8x26x64xf32, #tpu.memory_space<hbm>>
        %dma_start3A_392 = arith.constant 0 : i32
        %dma_start3A_393 = arith.constant 0 : i32
        %dma_start3A_394 = arith.constant 0 : i32
        %dma_start3A_395 = tpu.memref_slice %arg8[%dma_start3A_392, %dma_start3A_393, %dma_start3A_394] : memref<8x26x128xf32, #tpu.memory_space<vmem>> -> memref<8x26x64xf32, #tpu.memory_space<vmem>>
        tpu.enqueue_dma source(%dma_start3A_395 : memref<8x26x64xf32, #tpu.memory_space<vmem>>) target(%dma_start3A_391 : memref<8x26x64xf32, #tpu.memory_space<hbm>>) target_semaphore(%run_scoped3A : memref<!tpu.dma_semaphore, #tpu.memory_space<semaphore_mem>>)
        %dma_wait3A_396 = arith.constant 0 : i32
        %dma_wait3A_397 = arith.constant 0 : i32
        %dma_wait3A_398 = arith.constant 0 : i32
        %dma_wait3A_399 = tpu.memref_slice %arg8[%dma_wait3A_396, %dma_wait3A_397, %dma_wait3A_398] : memref<8x26x128xf32, #tpu.memory_space<vmem>> -> memref<8x26x64xf32, #tpu.memory_space<vmem>>
        %dma_wait3A_400 = arith.constant 0 : i32
        %dma_wait3A_401 = arith.constant 0 : i32
        %dma_wait3A_402 = tpu.memref_slice %arg4[%add3A_348, %dma_wait3A_400, %dma_wait3A_401] : memref<16384x26x64xf32, #tpu.memory_space<hbm>> -> memref<8x26x64xf32, #tpu.memory_space<hbm>>
        %dma_wait3A_403 = arith.constant 0 : i32
        %dma_wait3A_404 = arith.constant 0 : i32
        %dma_wait3A_405 = tpu.memref_slice %arg4[%add3A_348, %dma_wait3A_403, %dma_wait3A_404] : memref<16384x26x64xf32, #tpu.memory_space<hbm>> -> memref<8x26x64xf32, #tpu.memory_space<hbm>>
        %dma_wait3A_406 = arith.constant 0 : i32
        %dma_wait3A_407 = arith.constant 0 : i32
        %dma_wait3A_408 = arith.constant 0 : i32
        %dma_wait3A_409 = tpu.memref_slice %arg8[%dma_wait3A_406, %dma_wait3A_407, %dma_wait3A_408] : memref<8x26x128xf32, #tpu.memory_space<vmem>> -> memref<8x26x64xf32, #tpu.memory_space<vmem>>
        tpu.wait_dma2 semaphore(%run_scoped3A : memref<!tpu.dma_semaphore, #tpu.memory_space<semaphore_mem>>) src(%dma_wait3A_409 : memref<8x26x64xf32, #tpu.memory_space<vmem>>) dst(%dma_wait3A_405 : memref<8x26x64xf32, #tpu.memory_space<hbm>>)
        tpu.yield
      }) : () -> ()
      %add3A_349 = arith.constant 2 : i32
      %add3A_350 = arith.addi %add3A_298, %add3A_349 : i32
      %add3A_351 = arith.constant 4 : i32
      %add3A_352 = arith.addi %add3A_350, %add3A_351 : i32
      %sub3A_353 = arith.constant 1 : i32
      %sub3A_354 = arith.subi %add3A_352, %sub3A_353 : i32
      %lt3A_355 = arith.constant 64 : i32
      %lt3A_356 = arith.cmpi slt, %sub3A_354, %lt3A_355 : i32
      %convert_element_type3A_357 = arith.extui %lt3A_356 : i1 to i32
      %cond3A_358 = arith.constant 0 : i32
      %cond3A_359 = arith.cmpi ne, %convert_element_type3A_357, %cond3A_358 : i32
      scf.if %cond3A_359 {
        %add3A_382 = arith.constant 2 : i32
        %add3A_383 = arith.addi %add3A_298, %add3A_382 : i32
        %add3A_384 = arith.constant 4 : i32
        %add3A_385 = arith.addi %add3A_383, %add3A_384 : i32
        %sub3A_386 = arith.constant 1 : i32
        %sub3A_387 = arith.subi %add3A_385, %sub3A_386 : i32
        %mul3A_388 = arith.constant 8 : i32
        %mul3A_389 = arith.muli %sub3A_387, %mul3A_388 : i32
        %add3A_390 = arith.constant 0 : i32
        %add3A_391 = arith.addi %mul3A_389, %add3A_390 : i32
        %dma_start3A_392 = arith.constant 0 : i32
        %dma_start3A_393 = arith.constant 0 : i32
        %dma_start3A_394 = arith.constant 0 : i32
        %dma_start3A_395 = tpu.memref_slice %arg7[%dma_start3A_392, %dma_start3A_393, %dma_start3A_394] : memref<8x26x128xf32, #tpu.memory_space<vmem>> -> memref<1x26x128xf32, #tpu.memory_space<vmem>>
        %dma_start3A_396 = tpu.memref_squeeze %dma_start3A_395 : memref<1x26x128xf32, #tpu.memory_space<vmem>> -> memref<26x128xf32, #tpu.memory_space<vmem>>
        %dma_start3A_397 = arith.constant 0 : i32
        %dma_start3A_398 = tpu.memref_slice %arg5[%add3A_391, %dma_start3A_397] : memref<512x26xi32, #tpu.memory_space<vmem>> -> memref<1x26xi32, #tpu.memory_space<vmem>>
        %dma_start3A_399 = tpu.memref_squeeze %dma_start3A_398 : memref<1x26xi32, #tpu.memory_space<vmem>> -> memref<26xi32, #tpu.memory_space<vmem>>
        %dma_start3A_400 = arith.constant 0 : i32
        %dma_start3A_401 = arith.constant 0 : i32
        %dma_start3A_402 = tpu.memref_slice %arg3[%dma_start3A_400, %dma_start3A_401] : memref<1000000x128xf32, #tpu.memory_space<hbm>> -> memref<1000000x128xf32, #tpu.memory_space<hbm>>
        tpu.enqueue_indirect_dma source(%dma_start3A_402 : memref<1000000x128xf32, #tpu.memory_space<hbm>>) target(%dma_start3A_396 : memref<26x128xf32, #tpu.memory_space<vmem>>) offsets(%dma_start3A_399 : memref<26xi32, #tpu.memory_space<vmem>>) semaphore(%arg10 : memref<!tpu.dma_semaphore, #tpu.memory_space<semaphore_mem>>)
        %mul3A_403 = arith.constant 8 : i32
        %mul3A_404 = arith.muli %sub3A_387, %mul3A_403 : i32
        %add3A_405 = arith.constant 1 : i32
        %add3A_406 = arith.addi %mul3A_404, %add3A_405 : i32
        %dma_start3A_407 = arith.constant 1 : i32
        %dma_start3A_408 = arith.constant 0 : i32
        %dma_start3A_409 = arith.constant 0 : i32
        %dma_start3A_410 = tpu.memref_slice %arg7[%dma_start3A_407, %dma_start3A_408, %dma_start3A_409] : memref<8x26x128xf32, #tpu.memory_space<vmem>> -> memref<1x26x128xf32, #tpu.memory_space<vmem>>
        %dma_start3A_411 = tpu.memref_squeeze %dma_start3A_410 : memref<1x26x128xf32, #tpu.memory_space<vmem>> -> memref<26x128xf32, #tpu.memory_space<vmem>>
        %dma_start3A_412 = arith.constant 0 : i32
        %dma_start3A_413 = tpu.memref_slice %arg5[%add3A_406, %dma_start3A_412] : memref<512x26xi32, #tpu.memory_space<vmem>> -> memref<1x26xi32, #tpu.memory_space<vmem>>
        %dma_start3A_414 = tpu.memref_squeeze %dma_start3A_413 : memref<1x26xi32, #tpu.memory_space<vmem>> -> memref<26xi32, #tpu.memory_space<vmem>>
        %dma_start3A_415 = arith.constant 0 : i32
        %dma_start3A_416 = arith.constant 0 : i32
        %dma_start3A_417 = tpu.memref_slice %arg3[%dma_start3A_415, %dma_start3A_416] : memref<1000000x128xf32, #tpu.memory_space<hbm>> -> memref<1000000x128xf32, #tpu.memory_space<hbm>>
        tpu.enqueue_indirect_dma source(%dma_start3A_417 : memref<1000000x128xf32, #tpu.memory_space<hbm>>) target(%dma_start3A_411 : memref<26x128xf32, #tpu.memory_space<vmem>>) offsets(%dma_start3A_414 : memref<26xi32, #tpu.memory_space<vmem>>) semaphore(%arg10 : memref<!tpu.dma_semaphore, #tpu.memory_space<semaphore_mem>>)
        %mul3A_418 = arith.constant 8 : i32
        %mul3A_419 = arith.muli %sub3A_387, %mul3A_418 : i32
        %add3A_420 = arith.constant 2 : i32
        %add3A_421 = arith.addi %mul3A_419, %add3A_420 : i32
        %dma_start3A_422 = arith.constant 2 : i32
        %dma_start3A_423 = arith.constant 0 : i32
        %dma_start3A_424 = arith.constant 0 : i32
        %dma_start3A_425 = tpu.memref_slice %arg7[%dma_start3A_422, %dma_start3A_423, %dma_start3A_424] : memref<8x26x128xf32, #tpu.memory_space<vmem>> -> memref<1x26x128xf32, #tpu.memory_space<vmem>>
        %dma_start3A_426 = tpu.memref_squeeze %dma_start3A_425 : memref<1x26x128xf32, #tpu.memory_space<vmem>> -> memref<26x128xf32, #tpu.memory_space<vmem>>
        %dma_start3A_427 = arith.constant 0 : i32
        %dma_start3A_428 = tpu.memref_slice %arg5[%add3A_421, %dma_start3A_427] : memref<512x26xi32, #tpu.memory_space<vmem>> -> memref<1x26xi32, #tpu.memory_space<vmem>>
        %dma_start3A_429 = tpu.memref_squeeze %dma_start3A_428 : memref<1x26xi32, #tpu.memory_space<vmem>> -> memref<26xi32, #tpu.memory_space<vmem>>
        %dma_start3A_430 = arith.constant 0 : i32
        %dma_start3A_431 = arith.constant 0 : i32
        %dma_start3A_432 = tpu.memref_slice %arg3[%dma_start3A_430, %dma_start3A_431] : memref<1000000x128xf32, #tpu.memory_space<hbm>> -> memref<1000000x128xf32, #tpu.memory_space<hbm>>
        tpu.enqueue_indirect_dma source(%dma_start3A_432 : memref<1000000x128xf32, #tpu.memory_space<hbm>>) target(%dma_start3A_426 : memref<26x128xf32, #tpu.memory_space<vmem>>) offsets(%dma_start3A_429 : memref<26xi32, #tpu.memory_space<vmem>>) semaphore(%arg10 : memref<!tpu.dma_semaphore, #tpu.memory_space<semaphore_mem>>)
        %mul3A_433 = arith.constant 8 : i32
        %mul3A_434 = arith.muli %sub3A_387, %mul3A_433 : i32
        %add3A_435 = arith.constant 3 : i32
        %add3A_436 = arith.addi %mul3A_434, %add3A_435 : i32
        %dma_start3A_437 = arith.constant 3 : i32
        %dma_start3A_438 = arith.constant 0 : i32
        %dma_start3A_439 = arith.constant 0 : i32
        %dma_start3A_440 = tpu.memref_slice %arg7[%dma_start3A_437, %dma_start3A_438, %dma_start3A_439] : memref<8x26x128xf32, #tpu.memory_space<vmem>> -> memref<1x26x128xf32, #tpu.memory_space<vmem>>
        %dma_start3A_441 = tpu.memref_squeeze %dma_start3A_440 : memref<1x26x128xf32, #tpu.memory_space<vmem>> -> memref<26x128xf32, #tpu.memory_space<vmem>>
        %dma_start3A_442 = arith.constant 0 : i32
        %dma_start3A_443 = tpu.memref_slice %arg5[%add3A_436, %dma_start3A_442] : memref<512x26xi32, #tpu.memory_space<vmem>> -> memref<1x26xi32, #tpu.memory_space<vmem>>
        %dma_start3A_444 = tpu.memref_squeeze %dma_start3A_443 : memref<1x26xi32, #tpu.memory_space<vmem>> -> memref<26xi32, #tpu.memory_space<vmem>>
        %dma_start3A_445 = arith.constant 0 : i32
        %dma_start3A_446 = arith.constant 0 : i32
        %dma_start3A_447 = tpu.memref_slice %arg3[%dma_start3A_445, %dma_start3A_446] : memref<1000000x128xf32, #tpu.memory_space<hbm>> -> memref<1000000x128xf32, #tpu.memory_space<hbm>>
        tpu.enqueue_indirect_dma source(%dma_start3A_447 : memref<1000000x128xf32, #tpu.memory_space<hbm>>) target(%dma_start3A_441 : memref<26x128xf32, #tpu.memory_space<vmem>>) offsets(%dma_start3A_444 : memref<26xi32, #tpu.memory_space<vmem>>) semaphore(%arg10 : memref<!tpu.dma_semaphore, #tpu.memory_space<semaphore_mem>>)
        %mul3A_448 = arith.constant 8 : i32
        %mul3A_449 = arith.muli %sub3A_387, %mul3A_448 : i32
        %add3A_450 = arith.constant 4 : i32
        %add3A_451 = arith.addi %mul3A_449, %add3A_450 : i32
        %dma_start3A_452 = arith.constant 4 : i32
        %dma_start3A_453 = arith.constant 0 : i32
        %dma_start3A_454 = arith.constant 0 : i32
        %dma_start3A_455 = tpu.memref_slice %arg7[%dma_start3A_452, %dma_start3A_453, %dma_start3A_454] : memref<8x26x128xf32, #tpu.memory_space<vmem>> -> memref<1x26x128xf32, #tpu.memory_space<vmem>>
        %dma_start3A_456 = tpu.memref_squeeze %dma_start3A_455 : memref<1x26x128xf32, #tpu.memory_space<vmem>> -> memref<26x128xf32, #tpu.memory_space<vmem>>
        %dma_start3A_457 = arith.constant 0 : i32
        %dma_start3A_458 = tpu.memref_slice %arg5[%add3A_451, %dma_start3A_457] : memref<512x26xi32, #tpu.memory_space<vmem>> -> memref<1x26xi32, #tpu.memory_space<vmem>>
        %dma_start3A_459 = tpu.memref_squeeze %dma_start3A_458 : memref<1x26xi32, #tpu.memory_space<vmem>> -> memref<26xi32, #tpu.memory_space<vmem>>
        %dma_start3A_460 = arith.constant 0 : i32
        %dma_start3A_461 = arith.constant 0 : i32
        %dma_start3A_462 = tpu.memref_slice %arg3[%dma_start3A_460, %dma_start3A_461] : memref<1000000x128xf32, #tpu.memory_space<hbm>> -> memref<1000000x128xf32, #tpu.memory_space<hbm>>
        tpu.enqueue_indirect_dma source(%dma_start3A_462 : memref<1000000x128xf32, #tpu.memory_space<hbm>>) target(%dma_start3A_456 : memref<26x128xf32, #tpu.memory_space<vmem>>) offsets(%dma_start3A_459 : memref<26xi32, #tpu.memory_space<vmem>>) semaphore(%arg10 : memref<!tpu.dma_semaphore, #tpu.memory_space<semaphore_mem>>)
        %mul3A_463 = arith.constant 8 : i32
        %mul3A_464 = arith.muli %sub3A_387, %mul3A_463 : i32
        %add3A_465 = arith.constant 5 : i32
        %add3A_466 = arith.addi %mul3A_464, %add3A_465 : i32
        %dma_start3A_467 = arith.constant 5 : i32
        %dma_start3A_468 = arith.constant 0 : i32
        %dma_start3A_469 = arith.constant 0 : i32
        %dma_start3A_470 = tpu.memref_slice %arg7[%dma_start3A_467, %dma_start3A_468, %dma_start3A_469] : memref<8x26x128xf32, #tpu.memory_space<vmem>> -> memref<1x26x128xf32, #tpu.memory_space<vmem>>
        %dma_start3A_471 = tpu.memref_squeeze %dma_start3A_470 : memref<1x26x128xf32, #tpu.memory_space<vmem>> -> memref<26x128xf32, #tpu.memory_space<vmem>>
        %dma_start3A_472 = arith.constant 0 : i32
        %dma_start3A_473 = tpu.memref_slice %arg5[%add3A_466, %dma_start3A_472] : memref<512x26xi32, #tpu.memory_space<vmem>> -> memref<1x26xi32, #tpu.memory_space<vmem>>
        %dma_start3A_474 = tpu.memref_squeeze %dma_start3A_473 : memref<1x26xi32, #tpu.memory_space<vmem>> -> memref<26xi32, #tpu.memory_space<vmem>>
        %dma_start3A_475 = arith.constant 0 : i32
        %dma_start3A_476 = arith.constant 0 : i32
        %dma_start3A_477 = tpu.memref_slice %arg3[%dma_start3A_475, %dma_start3A_476] : memref<1000000x128xf32, #tpu.memory_space<hbm>> -> memref<1000000x128xf32, #tpu.memory_space<hbm>>
        tpu.enqueue_indirect_dma source(%dma_start3A_477 : memref<1000000x128xf32, #tpu.memory_space<hbm>>) target(%dma_start3A_471 : memref<26x128xf32, #tpu.memory_space<vmem>>) offsets(%dma_start3A_474 : memref<26xi32, #tpu.memory_space<vmem>>) semaphore(%arg10 : memref<!tpu.dma_semaphore, #tpu.memory_space<semaphore_mem>>)
        %mul3A_478 = arith.constant 8 : i32
        %mul3A_479 = arith.muli %sub3A_387, %mul3A_478 : i32
        %add3A_480 = arith.constant 6 : i32
        %add3A_481 = arith.addi %mul3A_479, %add3A_480 : i32
        %dma_start3A_482 = arith.constant 6 : i32
        %dma_start3A_483 = arith.constant 0 : i32
        %dma_start3A_484 = arith.constant 0 : i32
        %dma_start3A_485 = tpu.memref_slice %arg7[%dma_start3A_482, %dma_start3A_483, %dma_start3A_484] : memref<8x26x128xf32, #tpu.memory_space<vmem>> -> memref<1x26x128xf32, #tpu.memory_space<vmem>>
        %dma_start3A_486 = tpu.memref_squeeze %dma_start3A_485 : memref<1x26x128xf32, #tpu.memory_space<vmem>> -> memref<26x128xf32, #tpu.memory_space<vmem>>
        %dma_start3A_487 = arith.constant 0 : i32
        %dma_start3A_488 = tpu.memref_slice %arg5[%add3A_481, %dma_start3A_487] : memref<512x26xi32, #tpu.memory_space<vmem>> -> memref<1x26xi32, #tpu.memory_space<vmem>>
        %dma_start3A_489 = tpu.memref_squeeze %dma_start3A_488 : memref<1x26xi32, #tpu.memory_space<vmem>> -> memref<26xi32, #tpu.memory_space<vmem>>
        %dma_start3A_490 = arith.constant 0 : i32
        %dma_start3A_491 = arith.constant 0 : i32
        %dma_start3A_492 = tpu.memref_slice %arg3[%dma_start3A_490, %dma_start3A_491] : memref<1000000x128xf32, #tpu.memory_space<hbm>> -> memref<1000000x128xf32, #tpu.memory_space<hbm>>
        tpu.enqueue_indirect_dma source(%dma_start3A_492 : memref<1000000x128xf32, #tpu.memory_space<hbm>>) target(%dma_start3A_486 : memref<26x128xf32, #tpu.memory_space<vmem>>) offsets(%dma_start3A_489 : memref<26xi32, #tpu.memory_space<vmem>>) semaphore(%arg10 : memref<!tpu.dma_semaphore, #tpu.memory_space<semaphore_mem>>)
        %mul3A_493 = arith.constant 8 : i32
        %mul3A_494 = arith.muli %sub3A_387, %mul3A_493 : i32
        %add3A_495 = arith.constant 7 : i32
        %add3A_496 = arith.addi %mul3A_494, %add3A_495 : i32
        %dma_start3A_497 = arith.constant 7 : i32
        %dma_start3A_498 = arith.constant 0 : i32
        %dma_start3A_499 = arith.constant 0 : i32
        %dma_start3A_500 = tpu.memref_slice %arg7[%dma_start3A_497, %dma_start3A_498, %dma_start3A_499] : memref<8x26x128xf32, #tpu.memory_space<vmem>> -> memref<1x26x128xf32, #tpu.memory_space<vmem>>
        %dma_start3A_501 = tpu.memref_squeeze %dma_start3A_500 : memref<1x26x128xf32, #tpu.memory_space<vmem>> -> memref<26x128xf32, #tpu.memory_space<vmem>>
        %dma_start3A_502 = arith.constant 0 : i32
        %dma_start3A_503 = tpu.memref_slice %arg5[%add3A_496, %dma_start3A_502] : memref<512x26xi32, #tpu.memory_space<vmem>> -> memref<1x26xi32, #tpu.memory_space<vmem>>
        %dma_start3A_504 = tpu.memref_squeeze %dma_start3A_503 : memref<1x26xi32, #tpu.memory_space<vmem>> -> memref<26xi32, #tpu.memory_space<vmem>>
        %dma_start3A_505 = arith.constant 0 : i32
        %dma_start3A_506 = arith.constant 0 : i32
        %dma_start3A_507 = tpu.memref_slice %arg3[%dma_start3A_505, %dma_start3A_506] : memref<1000000x128xf32, #tpu.memory_space<hbm>> -> memref<1000000x128xf32, #tpu.memory_space<hbm>>
        tpu.enqueue_indirect_dma source(%dma_start3A_507 : memref<1000000x128xf32, #tpu.memory_space<hbm>>) target(%dma_start3A_501 : memref<26x128xf32, #tpu.memory_space<vmem>>) offsets(%dma_start3A_504 : memref<26xi32, #tpu.memory_space<vmem>>) semaphore(%arg10 : memref<!tpu.dma_semaphore, #tpu.memory_space<semaphore_mem>>)
      } else {
      }
      %dma_wait3A_360 = arith.constant 0 : i32
      %dma_wait3A_361 = arith.constant 0 : i32
      %dma_wait3A_362 = tpu.memref_slice %arg3[%dma_wait3A_360, %dma_wait3A_361] : memref<1000000x128xf32, #tpu.memory_space<hbm>> -> memref<208x128xf32, #tpu.memory_space<hbm>>
      %dma_wait3A_363 = arith.constant 0 : i32
      %dma_wait3A_364 = arith.constant 0 : i32
      %dma_wait3A_365 = tpu.memref_slice %arg3[%dma_wait3A_363, %dma_wait3A_364] : memref<1000000x128xf32, #tpu.memory_space<hbm>> -> memref<208x128xf32, #tpu.memory_space<hbm>>
      tpu.wait_dma2 semaphore(%arg10 : memref<!tpu.dma_semaphore, #tpu.memory_space<semaphore_mem>>) src(%dma_wait3A_365 : memref<208x128xf32, #tpu.memory_space<hbm>>) dst(%arg9 : memref<8x26x128xf32, #tpu.memory_space<vmem>>)
      %add3A_366 = arith.constant 3 : i32
      %add3A_367 = arith.addi %add3A_298, %add3A_366 : i32
      %mul3A_368 = arith.constant 8 : i32
      %mul3A_369 = arith.muli %add3A_367, %mul3A_368 : i32
      %add3A_370 = arith.addi %mul3A_2, %mul3A_369 : i32
      "tpu.region"() ({
        %run_scoped3A = tpu.sem_alloc : memref<!tpu.dma_semaphore, #tpu.memory_space<semaphore_mem>>
        %dma_start3A_382 = arith.constant 0 : i32
        %dma_start3A_383 = arith.constant 0 : i32
        %dma_start3A_384 = arith.constant 0 : i32
        %dma_start3A_385 = tpu.memref_slice %arg9[%dma_start3A_382, %dma_start3A_383, %dma_start3A_384] : memref<8x26x128xf32, #tpu.memory_space<vmem>> -> memref<8x26x64xf32, #tpu.memory_space<vmem>>
        %dma_start3A_386 = arith.constant 0 : i32
        %dma_start3A_387 = arith.constant 0 : i32
        %dma_start3A_388 = tpu.memref_slice %arg4[%add3A_370, %dma_start3A_386, %dma_start3A_387] : memref<16384x26x64xf32, #tpu.memory_space<hbm>> -> memref<8x26x64xf32, #tpu.memory_space<hbm>>
        %dma_start3A_389 = arith.constant 0 : i32
        %dma_start3A_390 = arith.constant 0 : i32
        %dma_start3A_391 = tpu.memref_slice %arg4[%add3A_370, %dma_start3A_389, %dma_start3A_390] : memref<16384x26x64xf32, #tpu.memory_space<hbm>> -> memref<8x26x64xf32, #tpu.memory_space<hbm>>
        %dma_start3A_392 = arith.constant 0 : i32
        %dma_start3A_393 = arith.constant 0 : i32
        %dma_start3A_394 = arith.constant 0 : i32
        %dma_start3A_395 = tpu.memref_slice %arg9[%dma_start3A_392, %dma_start3A_393, %dma_start3A_394] : memref<8x26x128xf32, #tpu.memory_space<vmem>> -> memref<8x26x64xf32, #tpu.memory_space<vmem>>
        tpu.enqueue_dma source(%dma_start3A_395 : memref<8x26x64xf32, #tpu.memory_space<vmem>>) target(%dma_start3A_391 : memref<8x26x64xf32, #tpu.memory_space<hbm>>) target_semaphore(%run_scoped3A : memref<!tpu.dma_semaphore, #tpu.memory_space<semaphore_mem>>)
        %dma_wait3A_396 = arith.constant 0 : i32
        %dma_wait3A_397 = arith.constant 0 : i32
        %dma_wait3A_398 = arith.constant 0 : i32
        %dma_wait3A_399 = tpu.memref_slice %arg9[%dma_wait3A_396, %dma_wait3A_397, %dma_wait3A_398] : memref<8x26x128xf32, #tpu.memory_space<vmem>> -> memref<8x26x64xf32, #tpu.memory_space<vmem>>
        %dma_wait3A_400 = arith.constant 0 : i32
        %dma_wait3A_401 = arith.constant 0 : i32
        %dma_wait3A_402 = tpu.memref_slice %arg4[%add3A_370, %dma_wait3A_400, %dma_wait3A_401] : memref<16384x26x64xf32, #tpu.memory_space<hbm>> -> memref<8x26x64xf32, #tpu.memory_space<hbm>>
        %dma_wait3A_403 = arith.constant 0 : i32
        %dma_wait3A_404 = arith.constant 0 : i32
        %dma_wait3A_405 = tpu.memref_slice %arg4[%add3A_370, %dma_wait3A_403, %dma_wait3A_404] : memref<16384x26x64xf32, #tpu.memory_space<hbm>> -> memref<8x26x64xf32, #tpu.memory_space<hbm>>
        %dma_wait3A_406 = arith.constant 0 : i32
        %dma_wait3A_407 = arith.constant 0 : i32
        %dma_wait3A_408 = arith.constant 0 : i32
        %dma_wait3A_409 = tpu.memref_slice %arg9[%dma_wait3A_406, %dma_wait3A_407, %dma_wait3A_408] : memref<8x26x128xf32, #tpu.memory_space<vmem>> -> memref<8x26x64xf32, #tpu.memory_space<vmem>>
        tpu.wait_dma2 semaphore(%run_scoped3A : memref<!tpu.dma_semaphore, #tpu.memory_space<semaphore_mem>>) src(%dma_wait3A_409 : memref<8x26x64xf32, #tpu.memory_space<vmem>>) dst(%dma_wait3A_405 : memref<8x26x64xf32, #tpu.memory_space<hbm>>)
        tpu.yield
      }) : () -> ()
      %add3A_371 = arith.constant 3 : i32
      %add3A_372 = arith.addi %add3A_298, %add3A_371 : i32
      %add3A_373 = arith.constant 4 : i32
      %add3A_374 = arith.addi %add3A_372, %add3A_373 : i32
      %sub3A_375 = arith.constant 1 : i32
      %sub3A_376 = arith.subi %add3A_374, %sub3A_375 : i32
      %lt3A_377 = arith.constant 64 : i32
      %lt3A_378 = arith.cmpi slt, %sub3A_376, %lt3A_377 : i32
      %convert_element_type3A_379 = arith.extui %lt3A_378 : i1 to i32
      %cond3A_380 = arith.constant 0 : i32
      %cond3A_381 = arith.cmpi ne, %convert_element_type3A_379, %cond3A_380 : i32
      scf.if %cond3A_381 {
        %add3A_382 = arith.constant 3 : i32
        %add3A_383 = arith.addi %add3A_298, %add3A_382 : i32
        %add3A_384 = arith.constant 4 : i32
        %add3A_385 = arith.addi %add3A_383, %add3A_384 : i32
        %sub3A_386 = arith.constant 1 : i32
        %sub3A_387 = arith.subi %add3A_385, %sub3A_386 : i32
        %mul3A_388 = arith.constant 8 : i32
        %mul3A_389 = arith.muli %sub3A_387, %mul3A_388 : i32
        %add3A_390 = arith.constant 0 : i32
        %add3A_391 = arith.addi %mul3A_389, %add3A_390 : i32
        %dma_start3A_392 = arith.constant 0 : i32
        %dma_start3A_393 = arith.constant 0 : i32
        %dma_start3A_394 = arith.constant 0 : i32
        %dma_start3A_395 = tpu.memref_slice %arg8[%dma_start3A_392, %dma_start3A_393, %dma_start3A_394] : memref<8x26x128xf32, #tpu.memory_space<vmem>> -> memref<1x26x128xf32, #tpu.memory_space<vmem>>
        %dma_start3A_396 = tpu.memref_squeeze %dma_start3A_395 : memref<1x26x128xf32, #tpu.memory_space<vmem>> -> memref<26x128xf32, #tpu.memory_space<vmem>>
        %dma_start3A_397 = arith.constant 0 : i32
        %dma_start3A_398 = tpu.memref_slice %arg5[%add3A_391, %dma_start3A_397] : memref<512x26xi32, #tpu.memory_space<vmem>> -> memref<1x26xi32, #tpu.memory_space<vmem>>
        %dma_start3A_399 = tpu.memref_squeeze %dma_start3A_398 : memref<1x26xi32, #tpu.memory_space<vmem>> -> memref<26xi32, #tpu.memory_space<vmem>>
        %dma_start3A_400 = arith.constant 0 : i32
        %dma_start3A_401 = arith.constant 0 : i32
        %dma_start3A_402 = tpu.memref_slice %arg3[%dma_start3A_400, %dma_start3A_401] : memref<1000000x128xf32, #tpu.memory_space<hbm>> -> memref<1000000x128xf32, #tpu.memory_space<hbm>>
        tpu.enqueue_indirect_dma source(%dma_start3A_402 : memref<1000000x128xf32, #tpu.memory_space<hbm>>) target(%dma_start3A_396 : memref<26x128xf32, #tpu.memory_space<vmem>>) offsets(%dma_start3A_399 : memref<26xi32, #tpu.memory_space<vmem>>) semaphore(%arg10 : memref<!tpu.dma_semaphore, #tpu.memory_space<semaphore_mem>>)
        %mul3A_403 = arith.constant 8 : i32
        %mul3A_404 = arith.muli %sub3A_387, %mul3A_403 : i32
        %add3A_405 = arith.constant 1 : i32
        %add3A_406 = arith.addi %mul3A_404, %add3A_405 : i32
        %dma_start3A_407 = arith.constant 1 : i32
        %dma_start3A_408 = arith.constant 0 : i32
        %dma_start3A_409 = arith.constant 0 : i32
        %dma_start3A_410 = tpu.memref_slice %arg8[%dma_start3A_407, %dma_start3A_408, %dma_start3A_409] : memref<8x26x128xf32, #tpu.memory_space<vmem>> -> memref<1x26x128xf32, #tpu.memory_space<vmem>>
        %dma_start3A_411 = tpu.memref_squeeze %dma_start3A_410 : memref<1x26x128xf32, #tpu.memory_space<vmem>> -> memref<26x128xf32, #tpu.memory_space<vmem>>
        %dma_start3A_412 = arith.constant 0 : i32
        %dma_start3A_413 = tpu.memref_slice %arg5[%add3A_406, %dma_start3A_412] : memref<512x26xi32, #tpu.memory_space<vmem>> -> memref<1x26xi32, #tpu.memory_space<vmem>>
        %dma_start3A_414 = tpu.memref_squeeze %dma_start3A_413 : memref<1x26xi32, #tpu.memory_space<vmem>> -> memref<26xi32, #tpu.memory_space<vmem>>
        %dma_start3A_415 = arith.constant 0 : i32
        %dma_start3A_416 = arith.constant 0 : i32
        %dma_start3A_417 = tpu.memref_slice %arg3[%dma_start3A_415, %dma_start3A_416] : memref<1000000x128xf32, #tpu.memory_space<hbm>> -> memref<1000000x128xf32, #tpu.memory_space<hbm>>
        tpu.enqueue_indirect_dma source(%dma_start3A_417 : memref<1000000x128xf32, #tpu.memory_space<hbm>>) target(%dma_start3A_411 : memref<26x128xf32, #tpu.memory_space<vmem>>) offsets(%dma_start3A_414 : memref<26xi32, #tpu.memory_space<vmem>>) semaphore(%arg10 : memref<!tpu.dma_semaphore, #tpu.memory_space<semaphore_mem>>)
        %mul3A_418 = arith.constant 8 : i32
        %mul3A_419 = arith.muli %sub3A_387, %mul3A_418 : i32
        %add3A_420 = arith.constant 2 : i32
        %add3A_421 = arith.addi %mul3A_419, %add3A_420 : i32
        %dma_start3A_422 = arith.constant 2 : i32
        %dma_start3A_423 = arith.constant 0 : i32
        %dma_start3A_424 = arith.constant 0 : i32
        %dma_start3A_425 = tpu.memref_slice %arg8[%dma_start3A_422, %dma_start3A_423, %dma_start3A_424] : memref<8x26x128xf32, #tpu.memory_space<vmem>> -> memref<1x26x128xf32, #tpu.memory_space<vmem>>
        %dma_start3A_426 = tpu.memref_squeeze %dma_start3A_425 : memref<1x26x128xf32, #tpu.memory_space<vmem>> -> memref<26x128xf32, #tpu.memory_space<vmem>>
        %dma_start3A_427 = arith.constant 0 : i32
        %dma_start3A_428 = tpu.memref_slice %arg5[%add3A_421, %dma_start3A_427] : memref<512x26xi32, #tpu.memory_space<vmem>> -> memref<1x26xi32, #tpu.memory_space<vmem>>
        %dma_start3A_429 = tpu.memref_squeeze %dma_start3A_428 : memref<1x26xi32, #tpu.memory_space<vmem>> -> memref<26xi32, #tpu.memory_space<vmem>>
        %dma_start3A_430 = arith.constant 0 : i32
        %dma_start3A_431 = arith.constant 0 : i32
        %dma_start3A_432 = tpu.memref_slice %arg3[%dma_start3A_430, %dma_start3A_431] : memref<1000000x128xf32, #tpu.memory_space<hbm>> -> memref<1000000x128xf32, #tpu.memory_space<hbm>>
        tpu.enqueue_indirect_dma source(%dma_start3A_432 : memref<1000000x128xf32, #tpu.memory_space<hbm>>) target(%dma_start3A_426 : memref<26x128xf32, #tpu.memory_space<vmem>>) offsets(%dma_start3A_429 : memref<26xi32, #tpu.memory_space<vmem>>) semaphore(%arg10 : memref<!tpu.dma_semaphore, #tpu.memory_space<semaphore_mem>>)
        %mul3A_433 = arith.constant 8 : i32
        %mul3A_434 = arith.muli %sub3A_387, %mul3A_433 : i32
        %add3A_435 = arith.constant 3 : i32
        %add3A_436 = arith.addi %mul3A_434, %add3A_435 : i32
        %dma_start3A_437 = arith.constant 3 : i32
        %dma_start3A_438 = arith.constant 0 : i32
        %dma_start3A_439 = arith.constant 0 : i32
        %dma_start3A_440 = tpu.memref_slice %arg8[%dma_start3A_437, %dma_start3A_438, %dma_start3A_439] : memref<8x26x128xf32, #tpu.memory_space<vmem>> -> memref<1x26x128xf32, #tpu.memory_space<vmem>>
        %dma_start3A_441 = tpu.memref_squeeze %dma_start3A_440 : memref<1x26x128xf32, #tpu.memory_space<vmem>> -> memref<26x128xf32, #tpu.memory_space<vmem>>
        %dma_start3A_442 = arith.constant 0 : i32
        %dma_start3A_443 = tpu.memref_slice %arg5[%add3A_436, %dma_start3A_442] : memref<512x26xi32, #tpu.memory_space<vmem>> -> memref<1x26xi32, #tpu.memory_space<vmem>>
        %dma_start3A_444 = tpu.memref_squeeze %dma_start3A_443 : memref<1x26xi32, #tpu.memory_space<vmem>> -> memref<26xi32, #tpu.memory_space<vmem>>
        %dma_start3A_445 = arith.constant 0 : i32
        %dma_start3A_446 = arith.constant 0 : i32
        %dma_start3A_447 = tpu.memref_slice %arg3[%dma_start3A_445, %dma_start3A_446] : memref<1000000x128xf32, #tpu.memory_space<hbm>> -> memref<1000000x128xf32, #tpu.memory_space<hbm>>
        tpu.enqueue_indirect_dma source(%dma_start3A_447 : memref<1000000x128xf32, #tpu.memory_space<hbm>>) target(%dma_start3A_441 : memref<26x128xf32, #tpu.memory_space<vmem>>) offsets(%dma_start3A_444 : memref<26xi32, #tpu.memory_space<vmem>>) semaphore(%arg10 : memref<!tpu.dma_semaphore, #tpu.memory_space<semaphore_mem>>)
        %mul3A_448 = arith.constant 8 : i32
        %mul3A_449 = arith.muli %sub3A_387, %mul3A_448 : i32
        %add3A_450 = arith.constant 4 : i32
        %add3A_451 = arith.addi %mul3A_449, %add3A_450 : i32
        %dma_start3A_452 = arith.constant 4 : i32
        %dma_start3A_453 = arith.constant 0 : i32
        %dma_start3A_454 = arith.constant 0 : i32
        %dma_start3A_455 = tpu.memref_slice %arg8[%dma_start3A_452, %dma_start3A_453, %dma_start3A_454] : memref<8x26x128xf32, #tpu.memory_space<vmem>> -> memref<1x26x128xf32, #tpu.memory_space<vmem>>
        %dma_start3A_456 = tpu.memref_squeeze %dma_start3A_455 : memref<1x26x128xf32, #tpu.memory_space<vmem>> -> memref<26x128xf32, #tpu.memory_space<vmem>>
        %dma_start3A_457 = arith.constant 0 : i32
        %dma_start3A_458 = tpu.memref_slice %arg5[%add3A_451, %dma_start3A_457] : memref<512x26xi32, #tpu.memory_space<vmem>> -> memref<1x26xi32, #tpu.memory_space<vmem>>
        %dma_start3A_459 = tpu.memref_squeeze %dma_start3A_458 : memref<1x26xi32, #tpu.memory_space<vmem>> -> memref<26xi32, #tpu.memory_space<vmem>>
        %dma_start3A_460 = arith.constant 0 : i32
        %dma_start3A_461 = arith.constant 0 : i32
        %dma_start3A_462 = tpu.memref_slice %arg3[%dma_start3A_460, %dma_start3A_461] : memref<1000000x128xf32, #tpu.memory_space<hbm>> -> memref<1000000x128xf32, #tpu.memory_space<hbm>>
        tpu.enqueue_indirect_dma source(%dma_start3A_462 : memref<1000000x128xf32, #tpu.memory_space<hbm>>) target(%dma_start3A_456 : memref<26x128xf32, #tpu.memory_space<vmem>>) offsets(%dma_start3A_459 : memref<26xi32, #tpu.memory_space<vmem>>) semaphore(%arg10 : memref<!tpu.dma_semaphore, #tpu.memory_space<semaphore_mem>>)
        %mul3A_463 = arith.constant 8 : i32
        %mul3A_464 = arith.muli %sub3A_387, %mul3A_463 : i32
        %add3A_465 = arith.constant 5 : i32
        %add3A_466 = arith.addi %mul3A_464, %add3A_465 : i32
        %dma_start3A_467 = arith.constant 5 : i32
        %dma_start3A_468 = arith.constant 0 : i32
        %dma_start3A_469 = arith.constant 0 : i32
        %dma_start3A_470 = tpu.memref_slice %arg8[%dma_start3A_467, %dma_start3A_468, %dma_start3A_469] : memref<8x26x128xf32, #tpu.memory_space<vmem>> -> memref<1x26x128xf32, #tpu.memory_space<vmem>>
        %dma_start3A_471 = tpu.memref_squeeze %dma_start3A_470 : memref<1x26x128xf32, #tpu.memory_space<vmem>> -> memref<26x128xf32, #tpu.memory_space<vmem>>
        %dma_start3A_472 = arith.constant 0 : i32
        %dma_start3A_473 = tpu.memref_slice %arg5[%add3A_466, %dma_start3A_472] : memref<512x26xi32, #tpu.memory_space<vmem>> -> memref<1x26xi32, #tpu.memory_space<vmem>>
        %dma_start3A_474 = tpu.memref_squeeze %dma_start3A_473 : memref<1x26xi32, #tpu.memory_space<vmem>> -> memref<26xi32, #tpu.memory_space<vmem>>
        %dma_start3A_475 = arith.constant 0 : i32
        %dma_start3A_476 = arith.constant 0 : i32
        %dma_start3A_477 = tpu.memref_slice %arg3[%dma_start3A_475, %dma_start3A_476] : memref<1000000x128xf32, #tpu.memory_space<hbm>> -> memref<1000000x128xf32, #tpu.memory_space<hbm>>
        tpu.enqueue_indirect_dma source(%dma_start3A_477 : memref<1000000x128xf32, #tpu.memory_space<hbm>>) target(%dma_start3A_471 : memref<26x128xf32, #tpu.memory_space<vmem>>) offsets(%dma_start3A_474 : memref<26xi32, #tpu.memory_space<vmem>>) semaphore(%arg10 : memref<!tpu.dma_semaphore, #tpu.memory_space<semaphore_mem>>)
        %mul3A_478 = arith.constant 8 : i32
        %mul3A_479 = arith.muli %sub3A_387, %mul3A_478 : i32
        %add3A_480 = arith.constant 6 : i32
        %add3A_481 = arith.addi %mul3A_479, %add3A_480 : i32
        %dma_start3A_482 = arith.constant 6 : i32
        %dma_start3A_483 = arith.constant 0 : i32
        %dma_start3A_484 = arith.constant 0 : i32
        %dma_start3A_485 = tpu.memref_slice %arg8[%dma_start3A_482, %dma_start3A_483, %dma_start3A_484] : memref<8x26x128xf32, #tpu.memory_space<vmem>> -> memref<1x26x128xf32, #tpu.memory_space<vmem>>
        %dma_start3A_486 = tpu.memref_squeeze %dma_start3A_485 : memref<1x26x128xf32, #tpu.memory_space<vmem>> -> memref<26x128xf32, #tpu.memory_space<vmem>>
        %dma_start3A_487 = arith.constant 0 : i32
        %dma_start3A_488 = tpu.memref_slice %arg5[%add3A_481, %dma_start3A_487] : memref<512x26xi32, #tpu.memory_space<vmem>> -> memref<1x26xi32, #tpu.memory_space<vmem>>
        %dma_start3A_489 = tpu.memref_squeeze %dma_start3A_488 : memref<1x26xi32, #tpu.memory_space<vmem>> -> memref<26xi32, #tpu.memory_space<vmem>>
        %dma_start3A_490 = arith.constant 0 : i32
        %dma_start3A_491 = arith.constant 0 : i32
        %dma_start3A_492 = tpu.memref_slice %arg3[%dma_start3A_490, %dma_start3A_491] : memref<1000000x128xf32, #tpu.memory_space<hbm>> -> memref<1000000x128xf32, #tpu.memory_space<hbm>>
        tpu.enqueue_indirect_dma source(%dma_start3A_492 : memref<1000000x128xf32, #tpu.memory_space<hbm>>) target(%dma_start3A_486 : memref<26x128xf32, #tpu.memory_space<vmem>>) offsets(%dma_start3A_489 : memref<26xi32, #tpu.memory_space<vmem>>) semaphore(%arg10 : memref<!tpu.dma_semaphore, #tpu.memory_space<semaphore_mem>>)
        %mul3A_493 = arith.constant 8 : i32
        %mul3A_494 = arith.muli %sub3A_387, %mul3A_493 : i32
        %add3A_495 = arith.constant 7 : i32
        %add3A_496 = arith.addi %mul3A_494, %add3A_495 : i32
        %dma_start3A_497 = arith.constant 7 : i32
        %dma_start3A_498 = arith.constant 0 : i32
        %dma_start3A_499 = arith.constant 0 : i32
        %dma_start3A_500 = tpu.memref_slice %arg8[%dma_start3A_497, %dma_start3A_498, %dma_start3A_499] : memref<8x26x128xf32, #tpu.memory_space<vmem>> -> memref<1x26x128xf32, #tpu.memory_space<vmem>>
        %dma_start3A_501 = tpu.memref_squeeze %dma_start3A_500 : memref<1x26x128xf32, #tpu.memory_space<vmem>> -> memref<26x128xf32, #tpu.memory_space<vmem>>
        %dma_start3A_502 = arith.constant 0 : i32
        %dma_start3A_503 = tpu.memref_slice %arg5[%add3A_496, %dma_start3A_502] : memref<512x26xi32, #tpu.memory_space<vmem>> -> memref<1x26xi32, #tpu.memory_space<vmem>>
        %dma_start3A_504 = tpu.memref_squeeze %dma_start3A_503 : memref<1x26xi32, #tpu.memory_space<vmem>> -> memref<26xi32, #tpu.memory_space<vmem>>
        %dma_start3A_505 = arith.constant 0 : i32
        %dma_start3A_506 = arith.constant 0 : i32
        %dma_start3A_507 = tpu.memref_slice %arg3[%dma_start3A_505, %dma_start3A_506] : memref<1000000x128xf32, #tpu.memory_space<hbm>> -> memref<1000000x128xf32, #tpu.memory_space<hbm>>
        tpu.enqueue_indirect_dma source(%dma_start3A_507 : memref<1000000x128xf32, #tpu.memory_space<hbm>>) target(%dma_start3A_501 : memref<26x128xf32, #tpu.memory_space<vmem>>) offsets(%dma_start3A_504 : memref<26xi32, #tpu.memory_space<vmem>>) semaphore(%arg10 : memref<!tpu.dma_semaphore, #tpu.memory_space<semaphore_mem>>)
      } else {
      }
    }
    %scan3A_293 = arith.constant 16 : i32
    return
  }
}

</mosaic_0001>

<sc_bundles>
// kernel: kernel.3.cloned.1.call-start
scs
__scs_entry_jumppad:
0x0: {  	(pc) =	sbr.rel $0x88, $3  }
0x1: {  	(tag) =	ssettag $0x0;
	lr =	simm.s32 $0x1  }
0x2: {  	[smem:$0x3F9F] =	sst lr;
	_ =	strace $0xD0000000  }
0x3: {  	_ = 	snop  }
0x4: {  	_ = 	snop  }
0x5: {  	_ = 	snop  }
0x6: {  	_ = 	snop  }
0x7: {  	_ = 	snop  }
__scs_overlays_trampoline_lowered:
0x8: {  	[smem:$0x3FAE] =	sst s0  }
0x9: {  	[smem:$0x3FAF] =	sst s1  }
0xa: {  	[smem:$0x3FB0] =	sst s2  }
0xb: {  	[smem:$0x3FB1] =	sst s3  }
0xc: {  	[smem:$0x3FB2] =	sst s4  }
0xd: {  	[smem:$0x3FB3] =	sst s5  }
0xe: {  	[smem:$0x3FB4] =	sst s6  }
0xf: {  	[smem:$0x3FB5] =	sst s7  }
0x10: {  	[smem:$0x3FB6] =	sst s8  }
0x11: {  	[smem:$0x3FB7] =	sst s9;
	s0 =	simm.s32 @!p0 $0x0  }
0x12: {  	s1 =	sld [smem:$0x3F9D];
	s0 =	simm.s32 @p0 $0x1  }
0x13: {  	[smem:$0x3FB8] =	sst s0;
	s0 =	simm.s32 @!p1 $0x0  }
0x14: {  	s2 =	sld [smem:$0x3F9C];
	s0 =	simm.s32 @p1 $0x1  }
0x15: {  	[smem:$0x3FB9] =	sst s0;
	s0 =	simm.s32 @!p2 $0x0  }
0x16: {  	s3 =	sld [smem:$0x3FDB];
	s0 =	simm.s32 @p2 $0x1  }
0x17: {  	s4 =	simm.s32 $0x1BF5;
	[smem:$0x3FBB] =	sst s0  }
0x18: {  	s0 =	sld [smem:$0x3F9E];
	_ =	swait.ge [sflag:s4], $0x0  }
0x19: {  	s7 =	sld [smem:$0x3F9F]  }
0x1a: {  	s8 =	sadd.s32 $0xFFFFE003, lr  }
0x1b: {  	s9 =	sadd.s32 $0xFFFFFEF7, lr;
	s5 =	simm.s32 $0xFFFFFFFF;
	p2 =	slt.u32 s8, $0xFFFFF086  }
0x1c: {  	p1 =	slt.u32 s9, $0xF7A;
	s5 =	simm.s32 @!p2 $0x0  }
0x1d: {  	s5 =	simm.s32 @p1 $0x1;
	p0 =	seq.s32 s7, s2  }
0x1e: {  	s7 =	smul.u32 @!p0 $0xF7A, s2;
	p2 =	seq.s32 @!p0 s5, $0x0  }
0x1f: {  	s9 =	smul.u32 $0xF7A, s1;
	s8 =	simm.s32 @!p0 $0x1BF5;
	p2 =	por !p2, p0  }
0x20: {  	[sflag:s8] =	ssyncset.s32 @!p0 $0xFFFFF086;
	s6 =	sadd.s32 @!p0 s3, s7;
	s7 =	simm.s32 @!p0 $0x108  }
0x21: {  	s3 =	sadd.s32 s3, s9;
	s6 =	sadd.s32 @!p0 $0x88, s6;
	s7 =	simm.s32 @p2 $0x1082  }
0x22: {  	[simem:s7], [sflag:s8] =	dma.local @!p0 [hbm:s6], $0xF7A  }
0x23: {  	s9 =	sor.u32 $0xD0000000, s2;
	s6 =	simm.s32 $0x108;
	_ =	swait.ge @!p0 [sflag:s8], $0x0  }
0x24: {  	s3 =	sadd.s32 $0x88, s3;
	s6 =	simm.s32 @!p1 $0x1082;
	[sflag:s4] =	ssyncset.s32 $0xFFFFF086  }
0x25: {  	[simem:s6], [sflag:s4] =	dma.local [hbm:s3], $0xF7A  }
0x26: {  	[smem:$0x3F9F] =	sst s1;
	(tag) =	ssettag s2;
	_ =	strace s9  }
0x27: {  	s1 =	sld [smem:$0x3FAF]  }
0x28: {  	s2 =	sld [smem:$0x3FB0]  }
0x29: {  	s4 =	sld [smem:$0x3FB2]  }
0x2a: {  	p0 =	seq.s32 s5, $0x0;
	s5 =	sld [smem:$0x3FB3]  }
0x2b: {  	s6 =	sld [smem:$0x3FB4]  }
0x2c: {  	s7 =	sld [smem:$0x3FB5]  }
0x2d: {  	s3 =	simm.s32 $0x108;
	s8 =	sld [smem:$0x3FB6]  }
0x2e: {  	s3 =	simm.s32 @!p0 $0x1082;
	s9 =	sld [smem:$0x3FB7]  }
0x2f: {  	lr =	sadd.s32 s0, s3;
	s0 =	sld [smem:$0x3FAE]  }
0x30: {  	s3 =	sld [smem:$0x3FB1]  }
0x31: {  	[smem:$0x3FBA] =	sst s10  }
0x32: {  	s10 =	sld [smem:$0x3FB8];
	_ =	sdelay $0x3  }
0x33: {  	p0 =	seq.s32 s10, $0x1;
	s10 =	sld [smem:$0x3FBA];
	_ =	sdelay $0x3  }
0x34: {  	[smem:$0x3FBA] =	sst s10  }
0x35: {  	s10 =	sld [smem:$0x3FB9];
	_ =	sdelay $0x3  }
0x36: {  	p1 =	seq.s32 s10, $0x1;
	s10 =	sld [smem:$0x3FBA];
	_ =	sdelay $0x3  }
0x37: {  	[smem:$0x3FBA] =	sst s10  }
0x38: {  	s10 =	sld [smem:$0x3FBB]  }
0x39: {  	_ = 	snop;
	(pc) =	sbr.ind lr, $3  }
0x3a: {  	_ = 	snop  }
0x3b: {  	_ = 	snop  }
0x3c: {  	p2 =	seq.s32 s10, $0x1;
	s10 =	sld [smem:$0x3FBA]  }
0x3d: {  	_ =	shalt  }
0x3e: {  	_ =	shalt  }
0x3f: {  	_ =	shalt  }
0x40: {  	_ =	shalt  }
0x41: {  	_ =	shalt  }
0x42: {  	_ =	shalt  }
0x43: {  	_ =	shalt  }
0x44: {  	_ =	shalt  }
0x45: {  	_ =	shalt  }
0x46: {  	_ =	shalt  }
0x47: {  	_ =	shalt  }
0x48: {  	_ =	shalt  }
0x49: {  	_ =	shalt  }
0x4a: {  	_ =	shalt  }
0x4b: {  	_ =	shalt  }
0x4c: {  	_ =	shalt  }
0x4d: {  	_ =	shalt  }
0x4e: {  	_ =	shalt  }
0x4f: {  	_ =	shalt  }
0x50: {  	_ =	shalt  }
0x51: {  	_ =	shalt  }
0x52: {  	_ =	shalt  }
0x53: {  	_ =	shalt  }
0x54: {  	_ =	shalt  }
0x55: {  	_ =	shalt  }
0x56: {  	_ =	shalt  }
0x57: {  	_ =	shalt  }
0x58: {  	_ =	shalt  }
0x59: {  	_ =	shalt  }
0x5a: {  	_ =	shalt  }
0x5b: {  	_ =	shalt  }
0x5c: {  	_ =	shalt  }
0x5d: {  	_ =	shalt  }
0x5e: {  	_ =	shalt  }
0x5f: {  	_ =	shalt  }
0x60: {  	_ =	shalt  }
0x61: {  	_ =	shalt  }
0x62: {  	_ =	shalt  }
0x63: {  	_ =	shalt  }
0x64: {  	_ =	shalt  }
0x65: {  	_ =	shalt  }
0x66: {  	_ =	shalt  }
0x67: {  	_ =	shalt  }
0x68: {  	_ =	shalt  }
0x69: {  	_ =	shalt  }
0x6a: {  	_ =	shalt  }
0x6b: {  	_ =	shalt  }
0x6c: {  	_ =	shalt  }
0x6d: {  	_ =	shalt  }
0x6e: {  	_ =	shalt  }
0x6f: {  	_ =	shalt  }
0x70: {  	_ =	shalt  }
0x71: {  	_ =	shalt  }
0x72: {  	_ =	shalt  }
0x73: {  	_ =	shalt  }
0x74: {  	_ =	shalt  }
0x75: {  	_ =	shalt  }
0x76: {  	_ =	shalt  }
0x77: {  	_ =	shalt  }
0x78: {  	_ =	shalt  }
0x79: {  	_ =	shalt  }
0x7a: {  	_ =	shalt  }
0x7b: {  	_ =	shalt  }
0x7c: {  	_ =	shalt  }
0x7d: {  	_ =	shalt  }
0x7e: {  	_ =	shalt  }
0x7f: {  	_ =	shalt  }
0x80: {  	_ =	shalt  }
0x81: {  	_ =	shalt  }
0x82: {  	_ =	shalt  }
0x83: {  	_ =	shalt  }
0x84: {  	_ =	shalt  }
0x85: {  	_ =	shalt  }
0x86: {  	_ =	shalt  }
0x87: {  	_ =	shalt  }
.Lfunc_end0:
.L_simem_size_0:
called_computation.1_lowered:
.L_overlay_start_0:
0x88: {  	s2 =	sld [smem:$0x3FD9]  }
0x89: {  	s3 =	sld [smem:$0x3FFE];
	_ =	sdelay $0x1  }
0x8a: {  	s1 =	srdreg.scid  }
0x8b: {  	s0 =	sand.u32 $0x1, s1  }
0x8c: {  	s17 =	sshll.u32 s0, $0xA;
	s2 =	sadd.s32 s3, s2  }
0x8d: {  	s2 =	sadd.s32 s2, s17  }
0x8e: {  	[smem:$0x3FC6] =	sst s2  }
0x8f: {  	_ = 	snop  }
0x90: {  	s2 =	sld [smem:$0x3FD0];
	(tm) =	ssettm $0x1  }
0x91: {  	s18 =	sld [smem:$0x3FFB];
	_ =	sdelay $0x3  }
0x92: {  	_ =	strace s18  }
0x93: {  	s3 =	sld [smem:$0x3FFC];
	_ =	sdelay $0x3  }
0x94: {  	_ =	strace s3  }
0x95: {  	s3 =	sld [smem:$0x3FFD];
	_ =	sdelay $0x3  }
0x96: {  	_ =	strace s3  }
0x97: {  	_ =	strace $0x8FFFFFFF  }
0x98: {  	s19 =	sld [smem:$0x3FDB];
	_ =	sdelay $0x1  }
0x99: {  	s4 =	simm.s32 $_scs_section_size  }
0x9a: {  	s5 =	simm.s32 $_size__tile_overlayer_lowered;
	s6 =	simm.s32 $_tile_overlayer_lowered  }
0x9b: {  	s22 =	simm.s32 $0x1BFF;
	s21 =	sshll.u32 s6, $0x1;
	s3 =	sadd.s32 s4, s19  }
0x9c: {  	s7 =	simm.s32 $0x0;
	s20 =	sshll.u32 s5, $0x1;
	s5 =	sadd.s32 s21, s3  }
0x9d: {  	[timem:s7], [sflag:s22] =	dma.local [hbm:s5], s20  }
0x9e: {  	_ =	swait.ge [sflag:s22], s20  }
0x9f: {  	s4 =	ssub.s32 $0x0, s20;
	[sflag:s22] =	ssyncset.done $0x0  }
0xa0: {  	[sflag:s22] =	ssyncadd.s32 s4;
	_ =	sdelay $0x1  }
0xa1: {  	s23 =	simm.s32 $0x1B8B  }
0xa2: {  	_ =	swait.ge [sflag:s23], $0x1  }
0xa3: {  	[sflag:s23] =	ssyncset.done $0x0  }
0xa4: {  	s25 =	simm.s32 $0x1B8E;
	s24 =	sld [smem:$0x3FFE];
	[sflag:s23] =	ssyncadd.s32 $0xFFFFFFFF  }
0xa5: {  	s26 =	simm.s32 $execute0_lowered;
	[smem:$0x3FD2] =	sst s25  }
0xa6: {  	s5 =	sshll.u32 s26, $0x1;
	_ =	strace $0x80000046;
	[dreg:$0x1] =	wrdreg $0xFFFFFFFF  }
0xa7: {  	s28 =	simm.s32 $_size_execute0_lowered;
	s3 =	sadd.s32 s3, s5;
	[dreg:$0x0] =	wrdreg $0x0  }
0xa8: {  	s5 =	sshll.u32 s28, $0x1;
	[dreg:$0x2] =	wrdreg s3  }
0xa9: {  	[dreg:$0x3] =	wrdreg s5  }
0xaa: {  	[dreg:$0x4] =	wrdreg $0xC0  }
0xab: {  	_ =	task [dreg:s7], $0x5FFFF  }
0xac: {  	[dreg:$0x1] =	wrdreg $0xFFFFFFFF  }
0xad: {  	[dreg:$0x0] =	wrdreg $0x60  }
0xae: {  	[dreg:$0x2] =	wrdreg s24  }
0xaf: {  	[dreg:$0x3] =	wrdreg s2  }
0xb0: {  	[dreg:$0x4] =	wrdreg $0x9  }
0xb1: {  	_ =	task.clear_ibuf [dreg:s7], $0x5FFFF;
	_ =	strace $0x90000046  }
0xb2: {  	s29 =	simm.s32 $0x9;
	_ =	strace $0x80000048  }
0xb3: {  	_ =	swait.ge [sflag:s29], $0x1  }
0xb4: {  	[sflag:s29] =	ssyncadd.s32 $0xFFFFFFFF  }
0xb5: {  	_ =	strace $0x90000048  }
0xb6: {  	_ =	sfence  }
0xb7: {  	s30 =	sld [smem:$0x0];
	_ =	sdelay $0x2  }
0xb8: {  	s31 =	sshll.u32 s1, $0xD;
	s1 =	sshrl.u32 s1, $0x2  }
0xb9: {  	s3 =	sand.u32 $0x4000, s31;
	s1 =	sadd.s32 s1, s30  }
0xba: {  	s0 =	sor.u32 s3, s0;
	s1 =	sshll.u32 s1, $0x11  }
0xbb: {  	s0 =	sor.u32 s1, s0  }
0xbc: {  	s0 =	sadd.s32 $0x8F2B, s0  }
0xbd: {  	[sflag:s0] =	ssyncadd.remote.s32 $0x1  }
0xbe: {  	_ =	sfence.sel $0xFFFF  }
0xbf: {  	[dreg:$0x0] =	wrdreg $0xFFFFFFFF;
	(pc) =	sbr.abs _section_cstart, $3  }
0xc0: {  	[dreg:$0x1] =	wrdreg $0xFFFFFFFF  }
0xc1: {  	_ =	task.clear_ibuf [dreg:s7], $0x2FFFF;
	_ =	strace $0x9FFFFFFF  }
0xc2: {  	(tm) =	ssettm $0x7FFFFFFF  }
0xc3: {  	_ =	shalt  }
tec
execute0_lowered:
.L_overlay_start_1:
0x0: {  	(tag) =	ssettag $0x1  }
0x1: {  	s0 =	srdreg.scid  }
0x2: {  	s1 =	rddreg [dreg:$0x0];
	s3 =	stileid.u32  }
0x3: {  	s2 =	rddreg [dreg:$0x1];
	s8 =	simm.s32 $0x2;
	s9 =	simm.s32 $0x1A  }
0x4: {  	s19 =	simm.s32 $0x11000;
	s21 =	simm.s32 $0x11D00;
	s23 =	simm.s32 $0x12A00  }
0x5: {  	s25 =	simm.s32 $0x13700;
	s28 =	simm.s32 $0x14400;
	s30 =	simm.s32 $0x15100  }
0x6: {  	s10 =	simm.s32 $0x16B00;
	s11 =	simm.s32 $0x1;
	s12 =	simm.s32 $0x17800  }
0x7: {  	s13 =	simm.s32 $0x18500;
	s14 =	simm.s32 $0x19200;
	s15 =	simm.s32 $0x19F00  }
0x8: {  	s16 =	simm.s32 $0x1AC00;
	s17 =	simm.s32 $0x1B900;
	s18 =	simm.s32 $0x1C600  }
0x9: {  	s20 =	simm.s32 $0x1D300;
	s0 =	sand.u32 $0x1, s0;
	s4 =	sshll.u32 s3, $0xA  }
0xa: {  	s3 =	simm.s32 $0x0;
	s5 =	sshll.u32 s0, $0x9;
	s0 =	ssub.s32 $0x2, s0  }
.Ltmp0:
0xb: {  	s4 =	sor.u32 s5, s4;
	s7 =	sshrl.u32 s0, $0x1;
	(pc) =	sbr.rel .LBB2_1-.Ltmp0, $4  }
0xc: {  	[smem:$0x7FF] =	sst s3;
	s5 =	sshll.u32 s4, $0x2;
	s0 =	ssub.s32 s0, s7  }
0xd: {  	_ =	strace $0x80000047;
	s6 =	sadd.s32 s5, s1;
	s0 =	smax.u32 s0, $0x1  }
0xe: {  	s5 =	sadd.s32 $0xF52E00, s1;
	s31 =	sadd.s32 $0xF42E00, s6;
	[dreg:$0x4] =	wrdreg s0  }
0xf: {  	s1 =	simm.s32 $0x15E00;
	s6 =	simm.s32 $0x0;
	[dreg:$0x3] =	wrdreg s31  }
.LBB2_12:
0x10: {  	s6 =	rddreg [dreg:$0x5]  }
0x11: {  	s0 =	rddreg [dreg:$0x4];
	s6 =	sadd.s32 $0x1, s6  }
0x12: {  	p0 =	sne.s32 s6, s0  }
.Ltmp1:
0x13: {  	_ = 	snop;
	(pc) =	sbr.rel @!p0 .LBB2_13-.Ltmp1, $1  }
0x14: {  	_ =	sdelay $0x3  }
.LBB2_1:
0x15: {  	[dreg:$0x5] =	wrdreg s6  }
0x16: {  	s0 =	rddreg [dreg:$0x3]  }
0x17: {  	[tilespmem:s3], [sflag:$0x2] =	stream.linear.gather [hbm4b:s0+s3], $0x4000, $0x38;
	[tilespmem:$0x1E000] =	vst v63  }
0x18: {  	_ =	swait.ge [sflag:s8], $0x4000  }
0x19: {  	[sflag:s8] =	ssyncset.done $0x0  }
0x1a: {  	s6 =	simm.s32 $0x4000;
	[sflag:s8] =	ssyncadd.s32 $0xFFFFC000  }
0x1b: {  	[tilespmem:s6], [sflag:$0x1] =	stream.indirect.gather [hbm4b:s5+s9], $0x80, s3, s9, $0xb8;
	[tilespmem:$0x1E000] =	vst v63  }
0x1c: {  	s7 =	simm.s32 $0x20;
	s22 =	simm.s32 $0x4D00  }
0x1d: {  	[tilespmem:s22], [sflag:$0x1] =	stream.indirect.gather [hbm4b:s5+s9], $0x80, s7, s9, $0xb8;
	[tilespmem:$0x1E000] =	vst v63  }
0x1e: {  	s24 =	simm.s32 $0x40;
	s26 =	simm.s32 $0x5A00  }
0x1f: {  	[tilespmem:s26], [sflag:$0x1] =	stream.indirect.gather [hbm4b:s5+s9], $0x80, s24, s9, $0xb8;
	[tilespmem:$0x1E000] =	vst v63  }
0x20: {  	s29 =	simm.s32 $0x60;
	s31 =	simm.s32 $0x6700  }
0x21: {  	[tilespmem:s31], [sflag:$0x1] =	stream.indirect.gather [hbm4b:s5+s9], $0x80, s29, s9, $0xb8;
	[tilespmem:$0x1E000] =	vst v63  }
0x22: {  	s7 =	simm.s32 $0x80;
	s22 =	simm.s32 $0x7400  }
0x23: {  	[tilespmem:s22], [sflag:$0x1] =	stream.indirect.gather [hbm4b:s5+s9], $0x80, s7, s9, $0xb8;
	[tilespmem:$0x1E000] =	vst v63  }
0x24: {  	s24 =	simm.s32 $0xA0;
	s26 =	simm.s32 $0x8100  }
0x25: {  	[tilespmem:s26], [sflag:$0x1] =	stream.indirect.gather [hbm4b:s5+s9], $0x80, s24, s9, $0xb8;
	[tilespmem:$0x1E000] =	vst v63  }
0x26: {  	s29 =	simm.s32 $0xC0;
	s31 =	simm.s32 $0x8E00  }
0x27: {  	[tilespmem:s31], [sflag:$0x1] =	stream.indirect.gather [hbm4b:s5+s9], $0x80, s29, s9, $0xb8;
	[tilespmem:$0x1E000] =	vst v63  }
0x28: {  	s7 =	simm.s32 $0xE0;
	s22 =	simm.s32 $0x9B00  }
0x29: {  	[tilespmem:s22], [sflag:$0x1] =	stream.indirect.gather [hbm4b:s5+s9], $0x80, s7, s9, $0xb8;
	[tilespmem:$0x1E000] =	vst v63  }
0x2a: {  	s24 =	simm.s32 $0x100;
	s26 =	simm.s32 $0xA800  }
0x2b: {  	[tilespmem:s26], [sflag:$0x1] =	stream.indirect.gather [hbm4b:s5+s9], $0x80, s24, s9, $0xb8;
	[tilespmem:$0x1E000] =	vst v63  }
0x2c: {  	s29 =	simm.s32 $0x120;
	s31 =	simm.s32 $0xB500  }
0x2d: {  	[tilespmem:s31], [sflag:$0x1] =	stream.indirect.gather [hbm4b:s5+s9], $0x80, s29, s9, $0xb8;
	[tilespmem:$0x1E000] =	vst v63  }
0x2e: {  	s7 =	simm.s32 $0x140;
	s22 =	simm.s32 $0xC200  }
0x2f: {  	[tilespmem:s22], [sflag:$0x1] =	stream.indirect.gather [hbm4b:s5+s9], $0x80, s7, s9, $0xb8;
	[tilespmem:$0x1E000] =	vst v63  }
0x30: {  	s24 =	simm.s32 $0x160;
	s26 =	simm.s32 $0xCF00  }
0x31: {  	[tilespmem:s26], [sflag:$0x1] =	stream.indirect.gather [hbm4b:s5+s9], $0x80, s24, s9, $0xb8;
	[tilespmem:$0x1E000] =	vst v63  }
0x32: {  	s29 =	simm.s32 $0x180;
	s31 =	simm.s32 $0xDC00  }
0x33: {  	[tilespmem:s31], [sflag:$0x1] =	stream.indirect.gather [hbm4b:s5+s9], $0x80, s29, s9, $0xb8;
	[tilespmem:$0x1E000] =	vst v63  }
0x34: {  	s6 =	simm.s32 $0x1A0;
	s7 =	simm.s32 $0xE900  }
0x35: {  	[tilespmem:s7], [sflag:$0x1] =	stream.indirect.gather [hbm4b:s5+s9], $0x80, s6, s9, $0xb8;
	[tilespmem:$0x1E000] =	vst v63  }
0x36: {  	s22 =	simm.s32 $0x1C0;
	s24 =	simm.s32 $0xF600  }
0x37: {  	[tilespmem:s24], [sflag:$0x1] =	stream.indirect.gather [hbm4b:s5+s9], $0x80, s22, s9, $0xb8;
	[tilespmem:$0x1E000] =	vst v63  }
0x38: {  	s26 =	simm.s32 $0x1E0;
	s29 =	simm.s32 $0x10300  }
0x39: {  	[tilespmem:s29], [sflag:$0x1] =	stream.indirect.gather [hbm4b:s5+s9], $0x80, s26, s9, $0xb8;
	[tilespmem:$0x1E000] =	vst v63  }
0x3a: {  	s31 =	simm.s32 $0x200  }
0x3b: {  	[tilespmem:s19], [sflag:$0x1] =	stream.indirect.gather [hbm4b:s5+s9], $0x80, s31, s9, $0xb8;
	[tilespmem:$0x1E000] =	vst v63  }
0x3c: {  	s6 =	simm.s32 $0x220  }
0x3d: {  	[tilespmem:s21], [sflag:$0x1] =	stream.indirect.gather [hbm4b:s5+s9], $0x80, s6, s9, $0xb8;
	[tilespmem:$0x1E000] =	vst v63  }
0x3e: {  	s7 =	simm.s32 $0x240  }
0x3f: {  	[tilespmem:s23], [sflag:$0x1] =	stream.indirect.gather [hbm4b:s5+s9], $0x80, s7, s9, $0xb8;
	[tilespmem:$0x1E000] =	vst v63  }
0x40: {  	s22 =	simm.s32 $0x260  }
0x41: {  	[tilespmem:s25], [sflag:$0x1] =	stream.indirect.gather [hbm4b:s5+s9], $0x80, s22, s9, $0xb8;
	[tilespmem:$0x1E000] =	vst v63  }
0x42: {  	s24 =	simm.s32 $0x280  }
0x43: {  	[tilespmem:s28], [sflag:$0x1] =	stream.indirect.gather [hbm4b:s5+s9], $0x80, s24, s9, $0xb8;
	[tilespmem:$0x1E000] =	vst v63  }
0x44: {  	s26 =	simm.s32 $0x2A0  }
0x45: {  	[tilespmem:s30], [sflag:$0x1] =	stream.indirect.gather [hbm4b:s5+s9], $0x80, s26, s9, $0xb8;
	[tilespmem:$0x1E000] =	vst v63  }
0x46: {  	s29 =	simm.s32 $0x2C0  }
0x47: {  	[tilespmem:s1], [sflag:$0x1] =	stream.indirect.gather [hbm4b:s5+s9], $0x80, s29, s9, $0xb8;
	[tilespmem:$0x1E000] =	vst v63  }
0x48: {  	s31 =	simm.s32 $0x2E0;
	s24 =	simm.s32 $0x0  }
0x49: {  	[tilespmem:s10], [sflag:$0x1] =	stream.indirect.gather [hbm4b:s5+s9], $0x80, s31, s9, $0xb8;
	[tilespmem:$0x1E000] =	vst v63  }
.LBB2_2:
0x4a: {  	s29 =	sshll.u32 s24, $0x5  }
0x4b: {  	s0 =	sadd.s32 s4, s29  }
0x4c: {  	s0 =	smul.u32 $0xD0, s0  }
0x4d: {  	_ =	swait.ge [sflag:s11], $0x6800;
	s31 =	simm.s32 $0x4000  }
0x4e: {  	s6 =	simm.s32 $0x4080;
	[sflag:s11] =	ssyncset.done $0x0;
	s26 =	sadd.s32 s2, s0  }
0x4f: {  	[sflag:s11] =	ssyncadd.s32 $0xFFFF9800;
	s0 =	simm.s32 $0x8;
	s7 =	sadd.s32 $0x0, s26  }
.LBB2_3:
0x50: {  	[hbm4b:s7+s3] =	stream.linear.scatter [tilespmem:s31], [sflag:$0x2], $0x40, $0x38;
	[tilespmem:$0x1E000] =	vst v63  }
0x51: {  	s7 =	smov.u32 s0;
	s31 =	smov.u32 s6;
	p0 =	sne.s32 s0, $0x678  }
.Ltmp2:
0x52: {  	s0 =	sadd.s32 $0x8, s0;
	(pc) =	sbr.rel @p0 .LBB2_3-.Ltmp2, $2  }
0x53: {  	_ =	sdelay $0x2  }
0x54: {  	s6 =	sadd.s32 $0x80, s6;
	s7 =	sadd.s32 s7, s26  }
0x55: {  	[hbm4b:s7+s3] =	stream.linear.scatter [tilespmem:s31], [sflag:$0x2], $0x40, $0x38;
	[tilespmem:$0x1E000] =	vst v63  }
0x56: {  	s26 =	sshllo.u32 s24, $0x2;
	_ =	swait.ge [sflag:s8], $0x3400  }
0x57: {  	s0 =	sshll.u32 s26, $0x8;
	[sflag:s8] =	ssyncset.done $0x0  }
0x58: {  	s0 =	sand.u32 $0x3FFFFF00, s0;
	[sflag:s8] =	ssyncadd.s32 $0xFFFFCC00  }
0x59: {  	[tilespmem:s12], [sflag:$0x1] =	stream.indirect.gather [hbm4b:s5+s9], $0x80, s0, s9, $0xb8;
	[tilespmem:$0x1E000] =	vst v63  }
0x5a: {  	s6 =	sor.u32 $0x20, s0  }
0x5b: {  	[tilespmem:s13], [sflag:$0x1] =	stream.indirect.gather [hbm4b:s5+s9], $0x80, s6, s9, $0xb8;
	[tilespmem:$0x1E000] =	vst v63  }
0x5c: {  	s7 =	sor.u32 $0x40, s0  }
0x5d: {  	[tilespmem:s14], [sflag:$0x1] =	stream.indirect.gather [hbm4b:s5+s9], $0x80, s7, s9, $0xb8;
	[tilespmem:$0x1E000] =	vst v63  }
0x5e: {  	s22 =	sor.u32 $0x60, s0  }
0x5f: {  	[tilespmem:s15], [sflag:$0x1] =	stream.indirect.gather [hbm4b:s5+s9], $0x80, s22, s9, $0xb8;
	[tilespmem:$0x1E000] =	vst v63  }
0x60: {  	s7 =	sor.u32 $0x80, s0  }
0x61: {  	[tilespmem:s16], [sflag:$0x1] =	stream.indirect.gather [hbm4b:s5+s9], $0x80, s7, s9, $0xb8;
	[tilespmem:$0x1E000] =	vst v63  }
0x62: {  	s22 =	sor.u32 $0xA0, s0  }
0x63: {  	[tilespmem:s17], [sflag:$0x1] =	stream.indirect.gather [hbm4b:s5+s9], $0x80, s22, s9, $0xb8;
	[tilespmem:$0x1E000] =	vst v63  }
0x64: {  	s7 =	sor.u32 $0xC0, s0  }
0x65: {  	[tilespmem:s18], [sflag:$0x1] =	stream.indirect.gather [hbm4b:s5+s9], $0x80, s7, s9, $0xb8;
	[tilespmem:$0x1E000] =	vst v63  }
0x66: {  	s0 =	sor.u32 $0xE0, s0;
	s22 =	sadd.s32 s29, s4  }
0x67: {  	[tilespmem:s20], [sflag:$0x1] =	stream.indirect.gather [hbm4b:s5+s9], $0x80, s0, s9, $0xb8;
	[tilespmem:$0x1E000] =	vst v63  }
0x68: {  	s0 =	smul.u32 $0xD0, s22;
	_ =	sdelay $0x1  }
0x69: {  	s6 =	simm.s32 $0x8;
	_ =	swait.ge [sflag:s11], $0x6800;
	s31 =	sadd.s32 s2, s0  }
0x6a: {  	s7 =	simm.s32 $0xA880;
	[sflag:s11] =	ssyncset.done $0x0;
	s29 =	sadd.s32 $0x680, s31  }
0x6b: {  	s0 =	simm.s32 $0xA800;
	[sflag:s11] =	ssyncadd.s32 $0xFFFF9800;
	s22 =	sadd.s32 $0x0, s29  }
.LBB2_5:
0x6c: {  	[hbm4b:s22+s3] =	stream.linear.scatter [tilespmem:s0], [sflag:$0x2], $0x40, $0x38;
	[tilespmem:$0x1E000] =	vst v63  }
0x6d: {  	s22 =	smov.u32 s6;
	s0 =	smov.u32 s7;
	p0 =	sne.s32 s6, $0x678  }
.Ltmp3:
0x6e: {  	s6 =	sadd.s32 $0x8, s6;
	(pc) =	sbr.rel @p0 .LBB2_5-.Ltmp3, $2  }
0x6f: {  	_ =	sdelay $0x2  }
0x70: {  	s7 =	sadd.s32 $0x80, s7;
	s22 =	sadd.s32 s22, s29  }
0x71: {  	[hbm4b:s22+s3] =	stream.linear.scatter [tilespmem:s0], [sflag:$0x2], $0x40, $0x38;
	[tilespmem:$0x1E000] =	vst v63  }
0x72: {  	p0 =	seq.s32 s24, $0xF  }
0x73: {  	_ =	swait.ge [sflag:s8], $0x3400;
	s0 =	sshll.u32 @!p0 s24, $0xA  }
0x74: {  	s6 =	simm.s32 @!p0 $0x1A;
	[sflag:s8] =	ssyncset.done $0x0;
	s29 =	sand.u32 @!p0 $0x3FFFFC00, s0  }
0x75: {  	s7 =	simm.s32 @!p0 $0x4000;
	[sflag:s8] =	ssyncadd.s32 $0xFFFFCC00;
	s0 =	sadd.s32 @!p0 $0x400, s29  }
0x76: {  	[tilespmem:s7], [sflag:$0x1] =	stream.indirect.gather @!p0 [hbm4b:s5+s6], $0x80, s0, s6, $0xb8;
	[tilespmem:$0x1E000] =	vst v63  }
0x77: {  	s0 =	sadd.s32 @!p0 $0x420, s29;
	s7 =	simm.s32 @!p0 $0x4D00  }
0x78: {  	[tilespmem:s7], [sflag:$0x1] =	stream.indirect.gather @!p0 [hbm4b:s5+s6], $0x80, s0, s6, $0xb8;
	[tilespmem:$0x1E000] =	vst v63  }
0x79: {  	s0 =	sadd.s32 @!p0 $0x440, s29;
	s7 =	simm.s32 @!p0 $0x5A00  }
0x7a: {  	[tilespmem:s7], [sflag:$0x1] =	stream.indirect.gather @!p0 [hbm4b:s5+s6], $0x80, s0, s6, $0xb8;
	[tilespmem:$0x1E000] =	vst v63  }
0x7b: {  	s0 =	sadd.s32 @!p0 $0x460, s29;
	s7 =	simm.s32 @!p0 $0x6700  }
0x7c: {  	[tilespmem:s7], [sflag:$0x1] =	stream.indirect.gather @!p0 [hbm4b:s5+s6], $0x80, s0, s6, $0xb8;
	[tilespmem:$0x1E000] =	vst v63  }
0x7d: {  	s0 =	sadd.s32 @!p0 $0x480, s29;
	s7 =	simm.s32 @!p0 $0x7400  }
0x7e: {  	[tilespmem:s7], [sflag:$0x1] =	stream.indirect.gather @!p0 [hbm4b:s5+s6], $0x80, s0, s6, $0xb8;
	[tilespmem:$0x1E000] =	vst v63  }
0x7f: {  	s0 =	sadd.s32 @!p0 $0x4A0, s29;
	s7 =	simm.s32 @!p0 $0x8100  }
0x80: {  	[tilespmem:s7], [sflag:$0x1] =	stream.indirect.gather @!p0 [hbm4b:s5+s6], $0x80, s0, s6, $0xb8;
	[tilespmem:$0x1E000] =	vst v63  }
0x81: {  	s0 =	sadd.s32 @!p0 $0x4C0, s29;
	s7 =	simm.s32 @!p0 $0x8E00  }
0x82: {  	[tilespmem:s7], [sflag:$0x1] =	stream.indirect.gather @!p0 [hbm4b:s5+s6], $0x80, s0, s6, $0xb8;
	[tilespmem:$0x1E000] =	vst v63  }
0x83: {  	s0 =	sadd.s32 @!p0 $0x4E0, s29;
	s7 =	simm.s32 @!p0 $0x9B00  }
0x84: {  	[tilespmem:s7], [sflag:$0x1] =	stream.indirect.gather @!p0 [hbm4b:s5+s6], $0x80, s0, s6, $0xb8;
	[tilespmem:$0x1E000] =	vst v63  }
0x85: {  	s31 =	sadd.s32 $0xD00, s31;
	_ =	swait.ge [sflag:s11], $0x6800  }
0x86: {  	s22 =	sadd.s32 $0x0, s31;
	s0 =	simm.s32 $0x11000;
	[sflag:s11] =	ssyncset.done $0x0  }
0x87: {  	s6 =	simm.s32 $0x8;
	s7 =	simm.s32 $0x11080;
	[sflag:s11] =	ssyncadd.s32 $0xFFFF9800  }
.LBB2_7:
0x88: {  	[hbm4b:s22+s3] =	stream.linear.scatter [tilespmem:s0], [sflag:$0x2], $0x40, $0x38;
	[tilespmem:$0x1E000] =	vst v63  }
0x89: {  	s22 =	smov.u32 s6;
	s0 =	smov.u32 s7;
	p1 =	sne.s32 s6, $0x678  }
.Ltmp4:
0x8a: {  	s6 =	sadd.s32 $0x8, s6;
	(pc) =	sbr.rel @p1 .LBB2_7-.Ltmp4, $2  }
0x8b: {  	_ =	sdelay $0x2  }
0x8c: {  	s7 =	sadd.s32 $0x80, s7;
	s22 =	sadd.s32 s22, s31  }
0x8d: {  	[hbm4b:s22+s3] =	stream.linear.scatter [tilespmem:s0], [sflag:$0x2], $0x40, $0x38;
	[tilespmem:$0x1E000] =	vst v63  }
0x8e: {  	_ =	swait.ge [sflag:s8], $0x3400  }
0x8f: {  	s0 =	sadd.s32 @!p0 $0x500, s29;
	[sflag:s8] =	ssyncset.done $0x0  }
0x90: {  	s6 =	simm.s32 @!p0 $0x1A;
	s7 =	simm.s32 @!p0 $0xA800;
	[sflag:s8] =	ssyncadd.s32 $0xFFFFCC00  }
0x91: {  	[tilespmem:s7], [sflag:$0x1] =	stream.indirect.gather @!p0 [hbm4b:s5+s6], $0x80, s0, s6, $0xb8;
	[tilespmem:$0x1E000] =	vst v63  }
0x92: {  	s0 =	sadd.s32 @!p0 $0x520, s29;
	s7 =	simm.s32 @!p0 $0xB500  }
0x93: {  	[tilespmem:s7], [sflag:$0x1] =	stream.indirect.gather @!p0 [hbm4b:s5+s6], $0x80, s0, s6, $0xb8;
	[tilespmem:$0x1E000] =	vst v63  }
0x94: {  	s0 =	sadd.s32 @!p0 $0x540, s29;
	s7 =	simm.s32 @!p0 $0xC200  }
0x95: {  	[tilespmem:s7], [sflag:$0x1] =	stream.indirect.gather @!p0 [hbm4b:s5+s6], $0x80, s0, s6, $0xb8;
	[tilespmem:$0x1E000] =	vst v63  }
0x96: {  	s0 =	sadd.s32 @!p0 $0x560, s29;
	s7 =	simm.s32 @!p0 $0xCF00  }
0x97: {  	[tilespmem:s7], [sflag:$0x1] =	stream.indirect.gather @!p0 [hbm4b:s5+s6], $0x80, s0, s6, $0xb8;
	[tilespmem:$0x1E000] =	vst v63  }
0x98: {  	s0 =	sadd.s32 @!p0 $0x580, s29;
	s7 =	simm.s32 @!p0 $0xDC00  }
0x99: {  	[tilespmem:s7], [sflag:$0x1] =	stream.indirect.gather @!p0 [hbm4b:s5+s6], $0x80, s0, s6, $0xb8;
	[tilespmem:$0x1E000] =	vst v63  }
0x9a: {  	s0 =	sadd.s32 @!p0 $0x5A0, s29;
	s7 =	simm.s32 @!p0 $0xE900  }
0x9b: {  	[tilespmem:s7], [sflag:$0x1] =	stream.indirect.gather @!p0 [hbm4b:s5+s6], $0x80, s0, s6, $0xb8;
	[tilespmem:$0x1E000] =	vst v63  }
0x9c: {  	s0 =	sadd.s32 @!p0 $0x5C0, s29;
	s7 =	simm.s32 @!p0 $0xF600  }
0x9d: {  	[tilespmem:s7], [sflag:$0x1] =	stream.indirect.gather @!p0 [hbm4b:s5+s6], $0x80, s0, s6, $0xb8;
	[tilespmem:$0x1E000] =	vst v63  }
0x9e: {  	s31 =	sshll.u32 s26, $0x3;
	s0 =	sadd.s32 @!p0 $0x5E0, s29;
	s7 =	simm.s32 @!p0 $0x10300  }
0x9f: {  	[tilespmem:s7], [sflag:$0x1] =	stream.indirect.gather @!p0 [hbm4b:s5+s6], $0x80, s0, s6, $0xb8;
	[tilespmem:$0x1E000] =	vst v63  }
0xa0: {  	s0 =	sadd.s32 s4, s31  }
0xa1: {  	s0 =	smul.u32 $0xD0, s0  }
0xa2: {  	s6 =	simm.s32 $0x8;
	_ =	swait.ge [sflag:s11], $0x6800  }
0xa3: {  	s7 =	simm.s32 $0x17880;
	[sflag:s11] =	ssyncset.done $0x0;
	s26 =	sadd.s32 s2, s0  }
0xa4: {  	[sflag:s11] =	ssyncadd.s32 $0xFFFF9800;
	s0 =	simm.s32 $0x17800;
	s22 =	sadd.s32 $0x0, s26  }
.LBB2_9:
0xa5: {  	[hbm4b:s22+s3] =	stream.linear.scatter [tilespmem:s0], [sflag:$0x2], $0x40, $0x38;
	[tilespmem:$0x1E000] =	vst v63  }
0xa6: {  	s22 =	smov.u32 s6;
	s0 =	smov.u32 s7;
	p1 =	sne.s32 s6, $0x678  }
.Ltmp5:
0xa7: {  	s6 =	sadd.s32 $0x8, s6;
	(pc) =	sbr.rel @p1 .LBB2_9-.Ltmp5, $2  }
0xa8: {  	_ =	sdelay $0x2  }
0xa9: {  	s7 =	sadd.s32 $0x80, s7;
	s22 =	sadd.s32 s22, s26  }
.Ltmp6:
0xaa: {  	(pc) =	sbr.rel @p0 .LBB2_12-.Ltmp6, $4  }
0xab: {  	[hbm4b:s22+s3] =	stream.linear.scatter [tilespmem:s0], [sflag:$0x2], $0x40, $0x38;
	[tilespmem:$0x1E000] =	vst v63  }
0xac: {  	_ =	swait.ge [sflag:s8], $0x3400  }
0xad: {  	[sflag:s8] =	ssyncset.done $0x0  }
0xae: {  	[sflag:s8] =	ssyncadd.s32 $0xFFFFCC00  }
0xaf: {  	s0 =	sshll.u32 s24, $0xA  }
0xb0: {  	s0 =	sand.u32 $0x3FFFFC00, s0  }
0xb1: {  	s6 =	sadd.s32 $0x600, s0  }
0xb2: {  	[tilespmem:s19], [sflag:$0x1] =	stream.indirect.gather [hbm4b:s5+s9], $0x80, s6, s9, $0xb8;
	[tilespmem:$0x1E000] =	vst v63  }
0xb3: {  	s31 =	sadd.s32 $0x620, s0  }
0xb4: {  	[tilespmem:s21], [sflag:$0x1] =	stream.indirect.gather [hbm4b:s5+s9], $0x80, s31, s9, $0xb8;
	[tilespmem:$0x1E000] =	vst v63  }
0xb5: {  	s7 =	sadd.s32 $0x640, s0  }
0xb6: {  	[tilespmem:s23], [sflag:$0x1] =	stream.indirect.gather [hbm4b:s5+s9], $0x80, s7, s9, $0xb8;
	[tilespmem:$0x1E000] =	vst v63  }
0xb7: {  	s22 =	sadd.s32 $0x660, s0  }
0xb8: {  	[tilespmem:s25], [sflag:$0x1] =	stream.indirect.gather [hbm4b:s5+s9], $0x80, s22, s9, $0xb8;
	[tilespmem:$0x1E000] =	vst v63  }
0xb9: {  	s26 =	sadd.s32 $0x680, s0  }
0xba: {  	[tilespmem:s28], [sflag:$0x1] =	stream.indirect.gather [hbm4b:s5+s9], $0x80, s26, s9, $0xb8;
	[tilespmem:$0x1E000] =	vst v63  }
0xbb: {  	s29 =	sadd.s32 $0x6A0, s0  }
0xbc: {  	[tilespmem:s30], [sflag:$0x1] =	stream.indirect.gather [hbm4b:s5+s9], $0x80, s29, s9, $0xb8;
	[tilespmem:$0x1E000] =	vst v63  }
.Ltmp7:
0xbd: {  	_ = 	snop;
	(pc) =	sbr.rel .LBB2_2-.Ltmp7, $4  }
0xbe: {  	s31 =	sadd.s32 $0x6C0, s0  }
0xbf: {  	[tilespmem:s1], [sflag:$0x1] =	stream.indirect.gather [hbm4b:s5+s9], $0x80, s31, s9, $0xb8;
	[tilespmem:$0x1E000] =	vst v63  }
0xc0: {  	s24 =	sadd.s32 $0x1, s24;
	s0 =	sadd.s32 $0x6E0, s0  }
0xc1: {  	[tilespmem:s10], [sflag:$0x1] =	stream.indirect.gather [hbm4b:s5+s9], $0x80, s0, s9, $0xb8;
	[tilespmem:$0x1E000] =	vst v63  }
.LBB2_13:
0xc2: {  	_ =	sfence.sel $0x180000  }
0xc3: {  	[bflag:$0x0] =	sbarrier.arrive $0xFFFF  }
0xc4: {  	_ =	strace $0x90000047  }
0xc5: {  	s0 =	stileid.u32;
	[bflag:$0x2] =	sbarrier.arrive $0xFFFF  }
0xc6: {  	p0 =	sne.s32 s0, $0x0;
	s0 =	rddreg [dreg:$0x2]  }
0xc7: {  	s0 =	sadd.s32 @!p0 $0x100000, s0  }
0xc8: {  	[sflag:s0] =	ssyncadd.tile.s32 @!p0 $0x1;
	_ =	shalt  }
.Lfunc_end2:
_tile_overlayer_lowered:
.L_overlay_start_2:
0xc9: {  	(tag) =	ssettag $0x2  }
0xca: {  	s0 =	rddreg [dreg:$0x0];
	s2 =	stileid.u32  }
0xcb: {  	s1 =	rddreg [dreg:$0x1];
	p0 =	sne.s32 s2, $0x0  }
0xcc: {  	s3 =	rddreg [dreg:$0x2];
	[bflag:$0x3] =	sbarrier.arrive $0xFFFF;
	s2 =	simm.s32 @!p0 $0x1C02  }
0xcd: {  	[timem:s3], [sflag:s2] =	dma.local @!p0 [hbm:s0], s1  }
0xce: {  	s0 =	simm.s32 @!p0 $0x2  }
0xcf: {  	_ =	swait.ge @!p0 [sflag:s0], s1  }
0xd0: {  	s1 =	ssub.s32 @!p0 $0x0, s1;
	[sflag:s0] =	ssyncset.done @!p0 $0x0  }
0xd1: {  	[sflag:s0] =	ssyncadd.s32 @!p0 s1  }
0xd2: {  	[bflag:$0x3] =	sbarrier.arrive $0xFFFF  }
0xd3: {  	_ =	shalt  }

// kernel: sparse-core-data-format-call.cloned.1.call-start
scs
called_computation_lowered:
.L_overlay_start_0:
0x0: {  	s2 =	sld [smem:$0x3FD9]  }
0x1: {  	s3 =	sld [smem:$0x3FFE];
	_ =	sdelay $0x1  }
0x2: {  	s1 =	srdreg.scid  }
0x3: {  	s0 =	sand.u32 $0x1, s1  }
0x4: {  	s18 =	sshll.u32 s0, $0xA;
	s2 =	sadd.s32 s3, s2  }
0x5: {  	s2 =	sadd.s32 s2, s18  }
0x6: {  	[smem:$0x3FC6] =	sst s2  }
0x7: {  	_ = 	snop  }
0x8: {  	s2 =	sld [smem:$0x3FD0];
	(tm) =	ssettm $0x1  }
0x9: {  	s19 =	sld [smem:$0x3FFB];
	_ =	sdelay $0x3  }
0xa: {  	_ =	strace s19  }
0xb: {  	s3 =	sld [smem:$0x3FFC];
	_ =	sdelay $0x3  }
0xc: {  	_ =	strace s3  }
0xd: {  	s3 =	sld [smem:$0x3FFD];
	_ =	sdelay $0x3  }
0xe: {  	_ =	strace s3  }
0xf: {  	_ =	strace $0x8FFFFFFF  }
0x10: {  	s20 =	sld [smem:$0x3FDB];
	_ =	sdelay $0x1  }
0x11: {  	s4 =	simm.s32 $_scs_section_size  }
0x12: {  	s5 =	simm.s32 $_size__tile_overlayer_lowered;
	s6 =	simm.s32 $_tile_overlayer_lowered  }
0x13: {  	s23 =	simm.s32 $0x1BFF;
	s22 =	sshll.u32 s6, $0x1;
	s3 =	sadd.s32 s4, s20  }
0x14: {  	s7 =	simm.s32 $0x0;
	s21 =	sshll.u32 s5, $0x1;
	s5 =	sadd.s32 s22, s3  }
0x15: {  	[timem:s7], [sflag:s23] =	dma.local [hbm:s5], s21  }
0x16: {  	_ =	swait.ge [sflag:s23], s21  }
0x17: {  	s4 =	ssub.s32 $0x0, s21;
	[sflag:s23] =	ssyncset.done $0x0  }
0x18: {  	[sflag:s23] =	ssyncadd.s32 s4;
	_ =	sdelay $0x1  }
0x19: {  	s24 =	simm.s32 $0x1B8B  }
0x1a: {  	_ =	swait.ge [sflag:s24], $0x1  }
0x1b: {  	[sflag:s24] =	ssyncset.done $0x0  }
0x1c: {  	s26 =	simm.s32 $0x1B8E;
	s25 =	sld [smem:$0x3FFE];
	[sflag:s24] =	ssyncadd.s32 $0xFFFFFFFF  }
0x1d: {  	s27 =	simm.s32 $execute0_lowered;
	[smem:$0x3FD2] =	sst s26  }
0x1e: {  	s5 =	sshll.u32 s27, $0x1;
	_ =	strace $0x80000049;
	[dreg:$0x1] =	wrdreg $0xFFFFFFFF  }
0x1f: {  	s28 =	simm.s32 $_size_execute0_lowered;
	s3 =	sadd.s32 s3, s5;
	[dreg:$0x0] =	wrdreg $0x0  }
0x20: {  	s5 =	sshll.u32 s28, $0x1;
	[dreg:$0x2] =	wrdreg s3  }
0x21: {  	[dreg:$0x3] =	wrdreg s5  }
0x22: {  	[dreg:$0x4] =	wrdreg $0xC0  }
0x23: {  	_ =	task [dreg:s7], $0x5FFFF  }
0x24: {  	[dreg:$0x1] =	wrdreg $0xFFFFFFFF  }
0x25: {  	[dreg:$0x0] =	wrdreg $0x60  }
0x26: {  	[dreg:$0x2] =	wrdreg s25  }
0x27: {  	[dreg:$0x3] =	wrdreg s2  }
0x28: {  	[dreg:$0x4] =	wrdreg $0x9  }
0x29: {  	_ =	task.clear_ibuf [dreg:s7], $0x5FFFF;
	_ =	strace $0x90000049  }
0x2a: {  	s29 =	simm.s32 $0x9;
	_ =	strace $0x8000004B  }
0x2b: {  	_ =	swait.ge [sflag:s29], $0x1  }
0x2c: {  	[sflag:s29] =	ssyncadd.s32 $0xFFFFFFFF  }
0x2d: {  	_ =	strace $0x9000004B  }
0x2e: {  	_ =	sfence  }
0x2f: {  	s30 =	sld [smem:$0x0];
	_ =	sdelay $0x2  }
0x30: {  	s31 =	sshll.u32 s1, $0xD;
	s1 =	sshrl.u32 s1, $0x2  }
0x31: {  	s3 =	sand.u32 $0x4000, s31;
	s1 =	sadd.s32 s1, s30  }
0x32: {  	s0 =	sor.u32 s3, s0;
	s1 =	sshll.u32 s1, $0x11  }
0x33: {  	s0 =	sor.u32 s1, s0  }
0x34: {  	s0 =	sadd.s32 $0x8F2B, s0  }
0x35: {  	[sflag:s0] =	ssyncadd.remote.s32 $0x1  }
0x36: {  	_ =	sfence.sel $0xFFFF  }
0x37: {  	[dreg:$0x0] =	wrdreg $0xFFFFFFFF;
	(pc) =	sbr.abs _section_cstart, $3  }
0x38: {  	[dreg:$0x1] =	wrdreg $0xFFFFFFFF  }
0x39: {  	_ =	task.clear_ibuf [dreg:s7], $0x2FFFF;
	_ =	strace $0x9FFFFFFF  }
0x3a: {  	(tm) =	ssettm $0x7FFFFFFF  }
0x3b: {  	_ =	shalt  }
tec
execute0_lowered:
.L_overlay_start_1:
0x0: {  	(tag) =	ssettag $0x1  }
0x1: {  	s0 =	srdreg.scid  }
0x2: {  	s1 =	sshll.u32 s0, $0x4  }
0x3: {  	s0 =	stileid.u32;
	s1 =	sand.u32 $0x10, s1  }
0x4: {  	s1 =	sor.u32 s0, s1  }
0x5: {  	s6 =	rddreg [dreg:$0x0];
	s4 =	simm.s32 $0x1;
	s2 =	sshll.u32 s1, $0x7  }
0x6: {  	s7 =	simm.s32 $0x2;
	s12 =	simm.s32 $0x0;
	s1 =	ssub.s32 $0x4000, s2  }
0x7: {  	s8 =	simm.s32 $0x20000;
	s13 =	simm.s32 $0x0;
	s3 =	sand.u32 $0xF80, s1  }
0x8: {  	s9 =	simm.s32 $0x0;
	s5 =	sshrl.u32 s1, $0xC;
	p0 =	sne.s32 s3, $0x0  }
.Ltmp0:
0x9: {  	s1 =	rddreg [dreg:$0x2];
	s4 =	simm.s32 @!p0 $0x0;
	(pc) =	sbr.rel .LBB1_1-.Ltmp0, $4  }
0xa: {  	s11 =	simm.s32 $0x0;
	s3 =	rddreg [dreg:$0x1];
	s5 =	sadd.s32 s4, s5  }
0xb: {  	_ =	strace $0x8000004A;
	s4 =	simm.s32 $0x1;
	s5 =	smul.u32 $0x1A, s5  }
0xc: {  	s6 =	sadd.s32 $0xA00, s6;
	s10 =	smov.u32 s2;
	[sflag:s4] =	ssyncpa.u1 $0x0  }
0xd: {  	p0 =	por $0x0, $0x0;
	[sflag:s7] =	ssyncpa.u1 $0x0;
	s7 =	sor.u32 $0x1, s5  }
.LBB1_4:
0xe: {  	s16 =	sshll.u32 s13, $0x3;
	s17 =	sand.u32 $0x78, s13  }
0xf: {  	s30 =	sand.u32 $0x1F800, s13;
	s12 =	sshll.u32 s12, $0x11;
	s16 =	sand.u32 $0x3C00, s16  }
0x10: {  	[tilespmem:s15+$0x810 ss:$0x81] =	vst.msk $0xffff, v2;
	s31 =	sand.u32 $0x7, s13;
	s16 =	sor.u32 s17, s16;
	s17 =	sadd.s32 s3, s30  }
0x11: {  	[tilespmem:s15+$0x1020 ss:$0x81] =	vst.msk $0xffff, v0;
	s13 =	sshll.u32 s31, $0x12;
	s12 =	sadd.s32 s12, s17;
	s16 =	sshrl.u32 s16, $0x3  }
0x12: {  	[tilespmem:s15+$0x0 ss:$0x81] =	vst.msk $0xffff, v1;
	s13 =	sor.u32 $0x400, s13;
	s12 =	sadd.s32 s16, s12  }
0x13: {  	[hbm4b:s12+s13] =	stream.strided.scatter [tilespmem:s14], [sflag:$0x2], $0x2000, s8, s13, $0x20;
	[tilespmem:$0x8080] =	vst v63  }
.LBB1_5:
0x14: {  	s14 =	sadd.s32 $0x1, s9  }
0x15: {  	s12 =	sadd.s32 $0x1000, s10;
	s16 =	smov.u32 s10;
	p2 =	sgt.s32 s14, $0x19  }
0x16: {  	s16 =	smov.u32 @p2 s12  }
0x17: {  	s14 =	simm.s32 @p2 $0x0;
	p2 =	sgt.s32 s16, $0x3FFF  }
0x18: {  	s16 =	smov.u32 @p2 s2;
	p2 =	sne.s32 s11, s7  }
.Ltmp1:
0x19: {  	p1 =	slt.u32 s11, $0x2;
	(pc) =	sbr.rel @!p2 .LBB1_6-.Ltmp1, $4  }
0x1a: {  	s15 =	simm.s32 @!p1 $0x2  }
0x1b: {  	s13 =	smov.u32 s10;
	p0 =	por !p0, !p0;
	_ =	swait.ge @!p1 [sflag:s15], $0x2000  }
0x1c: {  	s12 =	smov.u32 s9;
	[sflag:s15] =	ssyncset.done @!p1 $0x0;
	s9 =	smov.u32 s14  }
0x1d: {  	s11 =	sadd.s32 $0x1, s11;
	[sflag:s15] =	ssyncadd.s32 @!p1 $0xFFFFE000;
	s10 =	smov.u32 s16  }
.LBB1_1:
0x1e: {  	p1 =	sge.u32 s11, s5  }
0x1f: {  	s31 =	sadd.s32 $0xFFFFFFFF, s11;
	s14 =	sxor.u32 @!p1 $0xFFFFFFFF, s11  }
0x20: {  	s15 =	sshll.u32 @!p1 s10, $0x9;
	s16 =	sshll.u32 @!p1 s9, $0x4;
	s17 =	simm.s32 @!p1 $0x1000  }
0x21: {  	s14 =	sshll.u32 @!p1 s14, $0xD;
	s16 =	sand.u32 @!p1 $0x1F0, s16;
	s15 =	sadd.s32 @!p1 s6, s15  }
0x22: {  	s14 =	sand.u32 @!p1 $0x2000, s14;
	s15 =	sadd.s32 @!p1 s16, s15;
	s16 =	simm.s32 @!p1 $0x40  }
0x23: {  	[tilespmem:s14], [sflag:$0x1] =	stream.strided.gather @!p1 [hbm4b:s15+s16], $0x2000, s17, s16, $0x38;
	[tilespmem:$0x8080] =	vst v63  }
0x24: {  	p1 =	sge.u32 s31, s5  }
.Ltmp2:
0x25: {  	_ = 	snop;
	(pc) =	sbr.rel @p1 .LBB1_5-.Ltmp2, $1  }
0x26: {  	_ =	sdelay $0x3  }
0x27: {  	s14 =	simm.s32 $0x1  }
0x28: {  	_ =	swait.ge [sflag:s4], $0x2000;
	s14 =	simm.s32 @!p0 $0x0  }
0x29: {  	[sflag:s4] =	ssyncset.done $0x0;
	s15 =	sshll.u32 s14, $0xD  }
0x2a: {  	[sflag:s4] =	ssyncadd.s32 $0xFFFFE000;
	s18 =	sor.u32 $0x20, s15  }
0x2b: {  	s14 =	smul.u32 $0x8100, s14;
	v3 =	vld [tilespmem:s18+$0x10]  }
0x2c: {  	s30 =	sand.u32 $0x1, s11;
	v2 =	vld [tilespmem:s18+$0xFFFFFFF0]  }
0x2d: {  	s15 =	smul.u32 $0x8100, s30;
	s14 =	sshrl.u32 s14, $0x2;
	v0 =	vld [tilespmem:s18+$0x0]  }
0x2e: {  	v1 =	vld [tilespmem:s18+$0xFFFFFFE0];
	s16 =	sor.u32 $0x4000, s14  }
0x2f: {  	s31 =	sshrl.u32 s15, $0x2;
	s15 =	sadd.s32 $0x0, s16  }
0x30: {  	s17 =	simm.s32 $0x4;
	s18 =	sadd.s32 $0x40, s18;
	s14 =	sor.u32 $0x4000, s31;
	[tilespmem:s15+$0x1830 ss:$0x81] =	vst.msk $0xffff, v3  }
.LBB1_3:
0x31: {  	v3 =	vld [tilespmem:s18+$0x10];
	p1 =	sne.s32 s17, $0x1FC;
	[tilespmem:s15+$0x810 ss:$0x81] =	vst.msk $0xffff, v2;
	s19 =	smov.u32 s17;
	s17 =	sadd.s32 $0x4, s17  }
.Ltmp3:
0x32: {  	v2 =	vld [tilespmem:s18+$0xFFFFFFF0];
	[tilespmem:s15+$0x1020 ss:$0x81] =	vst.msk $0xffff, v0;
	(pc) =	sbr.rel @p1 .LBB1_3-.Ltmp3, $4  }
0x33: {  	v0 =	vld [tilespmem:s18+$0x0];
	[tilespmem:s15+$0x0 ss:$0x81] =	vst.msk $0xffff, v1  }
0x34: {  	s15 =	sshra.s32 s19, $0x2;
	v1 =	vld [tilespmem:s18+$0xFFFFFFE0]  }
0x35: {  	s15 =	sadd.s32 s15, s16  }
0x36: {  	s18 =	sadd.s32 $0x40, s18;
	[tilespmem:s15+$0x1830 ss:$0x81] =	vst.msk $0xffff, v3  }
.Ltmp4:
0x37: {  	_ = 	snop;
	(pc) =	sbr.rel .LBB1_4-.Ltmp4, $1  }
0x38: {  	_ =	sdelay $0x3  }
.LBB1_6:
0x39: {  	_ =	sfence.sel $0x180000  }
0x3a: {  	s2 =	simm.s32 $0x1;
	[bflag:$0x0] =	sbarrier.arrive $0xFFFF  }
0x3b: {  	s31 =	simm.s32 $0x2;
	[sflag:s2] =	ssyncpa.u1 $0x1  }
0x3c: {  	[sflag:s31] =	ssyncpa.u1 $0x1  }
0x3d: {  	p0 =	sne.s32 s0, $0x0;
	_ =	strace $0x9000004A  }
0x3e: {  	s0 =	sadd.s32 @!p0 $0x100000, s1;
	[bflag:$0x2] =	sbarrier.arrive $0xFFFF  }
0x3f: {  	[sflag:s0] =	ssyncadd.tile.s32 @!p0 $0x1;
	_ =	shalt  }
.Lfunc_end1:
_tile_overlayer_lowered:
.L_overlay_start_2:
0x40: {  	(tag) =	ssettag $0x2  }
0x41: {  	s0 =	rddreg [dreg:$0x0];
	s2 =	stileid.u32  }
0x42: {  	s1 =	rddreg [dreg:$0x1];
	p0 =	sne.s32 s2, $0x0  }
0x43: {  	s3 =	rddreg [dreg:$0x2];
	[bflag:$0x3] =	sbarrier.arrive $0xFFFF;
	s2 =	simm.s32 @!p0 $0x1C01  }
0x44: {  	[timem:s3], [sflag:s2] =	dma.local @!p0 [hbm:s0], s1  }
0x45: {  	s0 =	simm.s32 @!p0 $0x1  }
0x46: {  	_ =	swait.ge @!p0 [sflag:s0], s1  }
0x47: {  	s1 =	ssub.s32 @!p0 $0x0, s1;
	[sflag:s0] =	ssyncset.done @!p0 $0x0  }
0x48: {  	[sflag:s0] =	ssyncadd.s32 @!p0 s1  }
0x49: {  	[bflag:$0x3] =	sbarrier.arrive $0xFFFF  }
0x4a: {  	_ =	shalt  }

</sc_bundles>
